<compile_context>
chip_gen: v7x
topology: tpu7x:2x2x1
jax: 0.10.2.dev20260603
libtpu: 0.0.44.dev20260713+nightly
codegen_flags: <defaults>
</compile_context>

<pallas_src>
import functools

import jax
import jax.numpy as jnp
from jax import lax
from jax.experimental import pallas as pl
from jax.experimental.pallas import tpu as pltpu
from jax.experimental.pallas import tpu_sc as plsc

_NBUF = 4
_CH = 128


def _sc_gather(V, D, B, L, NW):
    PER = (B * L) // NW
    NCH = PER // _CH
    T = NCH // _NBUF
    mesh = plsc.VectorSubcoreMesh(core_axis_name="c", subcore_axis_name="s")

    @functools.partial(
        pl.kernel,
        mesh=mesh,
        out_type=[
            jax.ShapeDtypeStruct((B * L, D), jnp.float32),
            jax.ShapeDtypeStruct((B * L, D), jnp.float32),
        ],
        scratch_types=(
            [pltpu.VMEM((PER,), jnp.int32)]
            + [pltpu.VMEM((_CH, D), jnp.float32) for _ in range(2 * _NBUF)]
            + [pltpu.SemaphoreType.DMA for _ in range(2 * _NBUF)]
        ),
        compiler_params=pltpu.CompilerParams(use_tc_tiling_on_sc=False),
    )
    def body(ids_hbm, wr_hbm, wi_hbm, or_hbm, oi_hbm, idx_v, *bufs):
        rbuf = bufs[0:_NBUF]
        ibuf = bufs[_NBUF:2 * _NBUF]
        gsem = bufs[2 * _NBUF:3 * _NBUF]
        wsem = bufs[3 * _NBUF:4 * _NBUF]

        wid = lax.axis_index("s") * 2 + lax.axis_index("c")
        base = wid * PER
        pltpu.sync_copy(ids_hbm.at[wid], idx_v)

        def idx_at(c):
            return idx_v.at[pl.ds(c * _CH, _CH)]

        def out_rows(c):
            return pl.ds(base + c * _CH, _CH)

        def fire_gather(s, c):
            pltpu.async_copy(wr_hbm.at[idx_at(c)], rbuf[s], gsem[s])
            pltpu.async_copy(wi_hbm.at[idx_at(c)], ibuf[s], gsem[s])

        def drain_gather(s, c):
            pltpu.make_async_copy(wr_hbm.at[idx_at(c)], rbuf[s], gsem[s]).wait()
            pltpu.make_async_copy(wi_hbm.at[idx_at(c)], ibuf[s], gsem[s]).wait()

        def fire_write(s, c):
            pltpu.async_copy(rbuf[s], or_hbm.at[out_rows(c)], wsem[s])
            pltpu.async_copy(ibuf[s], oi_hbm.at[out_rows(c)], wsem[s])

        def drain_write(s, c):
            pltpu.make_async_copy(rbuf[s], or_hbm.at[out_rows(c)], wsem[s]).wait()
            pltpu.make_async_copy(ibuf[s], oi_hbm.at[out_rows(c)], wsem[s]).wait()

        for s in range(_NBUF):
            fire_gather(s, s)

        def round_body(t, carry):
            for s in range(_NBUF):
                c = t * _NBUF + s
                drain_gather(s, c)
                fire_write(s, c)
            for s in range(_NBUF):
                c = t * _NBUF + s
                drain_write(s, c)
                fire_gather(s, c + _NBUF)
            return carry

        lax.fori_loop(0, T - 1, round_body, 0)

        for s in range(_NBUF):
            c = (T - 1) * _NBUF + s
            drain_gather(s, c)
            fire_write(s, c)
        for s in range(_NBUF):
            drain_write(s, (T - 1) * _NBUF + s)

    return body


def kernel(input_ids, W_real, W_imag):
    B, L = input_ids.shape
    V, D = W_real.shape
    NW = 32

    ids2 = input_ids.reshape(NW, (B * L) // NW)
    out_r, out_i = _sc_gather(V, D, B, L, NW)(ids2, W_real, W_imag)
    return lax.complex(out_r, out_i).reshape(B, L, D)

# --- scband reference (transcript-rebuilt; emitter-appended) ---
"""Pipeline reference for scband-complex-embedding-28226525070013 (READ-ONLY COPY).

The authoritative reference and input builder live on the scoring server;
editing this copy changes nothing except your own understanding.
"""

import jax, jax.numpy as jnp
import numpy as np

V = 1000000
D = 32
B = 4096
L = 200

def setup_inputs(seed: int = 0) -> dict:
    key = jax.random.key(seed)
    k1, k2, k3 = jax.random.split(key, 3)
    std = 1.0 / np.sqrt(D)
    scale = 1.0 / np.sqrt(2.0)
    W_real = jax.random.normal(k1, (V, D), dtype=jnp.float32) * (std * scale)
    W_imag = jax.random.normal(k2, (V, D), dtype=jnp.float32) * (std * scale)
    input_ids = jax.random.randint(k3, (B, L), 0, V, dtype=jnp.int32)
    return {"input_ids": input_ids, "W_real": W_real, "W_imag": W_imag}

def reference(input_ids, W_real, W_imag):
    # Complex embedding lookup: weight[input_ids] where weight = W_real + 1j*W_imag.
    # The complex gather is exactly a gather on the real and imaginary planes.
    out_real = jnp.take(W_real, input_ids, axis=0)
    out_imag = jnp.take(W_imag, input_ids, axis=0)
    return jax.lax.complex(out_real, out_imag)

if __name__ == "__main__":
    import jax
    _d = setup_inputs()
    print(jax.jit(kernel)(*tuple(_d.values())))

</pallas_src>

<mosaic_0001>
#map = affine_map<(d0, d1) -> (0, 0)>
module attributes {stable_mosaic.version = 14 : i64} {
  func.func @body(%arg0: i32, %arg1: i32, %arg2: memref<32x25600xi32, #tpu.memory_space<hbm>>, %arg3: memref<1000000x32xf32, #tpu.memory_space<hbm>>, %arg4: memref<1000000x32xf32, #tpu.memory_space<hbm>>, %arg5: memref<819200x32xf32, #tpu.memory_space<hbm>>, %arg6: memref<819200x32xf32, #tpu.memory_space<hbm>>, %arg7: memref<25600xi32, #tpu.memory_space<vmem>>, %arg8: memref<128x32xf32, #tpu.memory_space<vmem>>, %arg9: memref<128x32xf32, #tpu.memory_space<vmem>>, %arg10: memref<128x32xf32, #tpu.memory_space<vmem>>, %arg11: memref<128x32xf32, #tpu.memory_space<vmem>>, %arg12: memref<128x32xf32, #tpu.memory_space<vmem>>, %arg13: memref<128x32xf32, #tpu.memory_space<vmem>>, %arg14: memref<128x32xf32, #tpu.memory_space<vmem>>, %arg15: memref<128x32xf32, #tpu.memory_space<vmem>>, %arg16: memref<!tpu.dma_semaphore, #tpu.memory_space<semaphore_mem>>, %arg17: memref<!tpu.dma_semaphore, #tpu.memory_space<semaphore_mem>>, %arg18: memref<!tpu.dma_semaphore, #tpu.memory_space<semaphore_mem>>, %arg19: memref<!tpu.dma_semaphore, #tpu.memory_space<semaphore_mem>>, %arg20: memref<!tpu.dma_semaphore, #tpu.memory_space<semaphore_mem>>, %arg21: memref<!tpu.dma_semaphore, #tpu.memory_space<semaphore_mem>>, %arg22: memref<!tpu.dma_semaphore, #tpu.memory_space<semaphore_mem>>, %arg23: memref<!tpu.dma_semaphore, #tpu.memory_space<semaphore_mem>>) attributes {dimension_semantics = [#tpu.dimension_semantics<core_parallel>, #tpu.dimension_semantics<subcore_parallel>], iteration_bounds = array<i64: 2, 16>, scalar_prefetch = 0 : i64, scratch_operands = 17 : i64, tpu.core_type = #tpu.core_type<sc_vector_subcore>, window_params = [{transform_indices = #map}, {transform_indices = #map}, {transform_indices = #map}, {transform_indices = #map}, {transform_indices = #map}]} {
    %mul3A = arith.constant 2 : i32
    %mul3A_0 = arith.muli %arg1, %mul3A : i32
    %add3A = arith.addi %mul3A_0, %arg0 : i32
    %mul3A_1 = arith.constant 25600 : i32
    %mul3A_2 = arith.muli %add3A, %mul3A_1 : i32
    "tpu.region"() ({
      %run_scoped3A = tpu.sem_alloc : memref<!tpu.dma_semaphore, #tpu.memory_space<semaphore_mem>>
      %dma_start3A_182 = arith.constant 0 : i32
      %dma_start3A_183 = tpu.memref_slice %arg2[%add3A, %dma_start3A_182] : memref<32x25600xi32, #tpu.memory_space<hbm>> -> memref<1x25600xi32, #tpu.memory_space<hbm>>
      %dma_start3A_184 = tpu.memref_squeeze %dma_start3A_183 : memref<1x25600xi32, #tpu.memory_space<hbm>> -> memref<25600xi32, #tpu.memory_space<hbm>>
      %dma_start3A_185 = arith.constant 0 : i32
      %dma_start3A_186 = tpu.memref_slice %arg2[%add3A, %dma_start3A_185] : memref<32x25600xi32, #tpu.memory_space<hbm>> -> memref<1x25600xi32, #tpu.memory_space<hbm>>
      %dma_start3A_187 = tpu.memref_squeeze %dma_start3A_186 : memref<1x25600xi32, #tpu.memory_space<hbm>> -> memref<25600xi32, #tpu.memory_space<hbm>>
      tpu.enqueue_dma source(%dma_start3A_187 : memref<25600xi32, #tpu.memory_space<hbm>>) target(%arg7 : memref<25600xi32, #tpu.memory_space<vmem>>) target_semaphore(%run_scoped3A : memref<!tpu.dma_semaphore, #tpu.memory_space<semaphore_mem>>)
      %dma_wait3A_188 = arith.constant 0 : i32
      %dma_wait3A_189 = tpu.memref_slice %arg2[%add3A, %dma_wait3A_188] : memref<32x25600xi32, #tpu.memory_space<hbm>> -> memref<1x25600xi32, #tpu.memory_space<hbm>>
      %dma_wait3A_190 = tpu.memref_squeeze %dma_wait3A_189 : memref<1x25600xi32, #tpu.memory_space<hbm>> -> memref<25600xi32, #tpu.memory_space<hbm>>
      %dma_wait3A_191 = arith.constant 0 : i32
      %dma_wait3A_192 = tpu.memref_slice %arg2[%add3A, %dma_wait3A_191] : memref<32x25600xi32, #tpu.memory_space<hbm>> -> memref<1x25600xi32, #tpu.memory_space<hbm>>
      %dma_wait3A_193 = tpu.memref_squeeze %dma_wait3A_192 : memref<1x25600xi32, #tpu.memory_space<hbm>> -> memref<25600xi32, #tpu.memory_space<hbm>>
      tpu.wait_dma2 semaphore(%run_scoped3A : memref<!tpu.dma_semaphore, #tpu.memory_space<semaphore_mem>>) src(%dma_wait3A_193 : memref<25600xi32, #tpu.memory_space<hbm>>) dst(%arg7 : memref<25600xi32, #tpu.memory_space<vmem>>)
      tpu.yield
    }) : () -> ()
    %dma_start3A = arith.constant 0 : i32
    %dma_start3A_3 = tpu.memref_slice %arg7[%dma_start3A] : memref<25600xi32, #tpu.memory_space<vmem>> -> memref<128xi32, #tpu.memory_space<vmem>>
    %dma_start3A_4 = arith.constant 0 : i32
    %dma_start3A_5 = arith.constant 0 : i32
    %dma_start3A_6 = tpu.memref_slice %arg3[%dma_start3A_4, %dma_start3A_5] : memref<1000000x32xf32, #tpu.memory_space<hbm>> -> memref<1000000x32xf32, #tpu.memory_space<hbm>>
    tpu.enqueue_indirect_dma source(%dma_start3A_6 : memref<1000000x32xf32, #tpu.memory_space<hbm>>) target(%arg8 : memref<128x32xf32, #tpu.memory_space<vmem>>) offsets(%dma_start3A_3 : memref<128xi32, #tpu.memory_space<vmem>>) semaphore(%arg16 : memref<!tpu.dma_semaphore, #tpu.memory_space<semaphore_mem>>)
    %dma_start3A_7 = arith.constant 0 : i32
    %dma_start3A_8 = tpu.memref_slice %arg7[%dma_start3A_7] : memref<25600xi32, #tpu.memory_space<vmem>> -> memref<128xi32, #tpu.memory_space<vmem>>
    %dma_start3A_9 = arith.constant 0 : i32
    %dma_start3A_10 = arith.constant 0 : i32
    %dma_start3A_11 = tpu.memref_slice %arg4[%dma_start3A_9, %dma_start3A_10] : memref<1000000x32xf32, #tpu.memory_space<hbm>> -> memref<1000000x32xf32, #tpu.memory_space<hbm>>
    tpu.enqueue_indirect_dma source(%dma_start3A_11 : memref<1000000x32xf32, #tpu.memory_space<hbm>>) target(%arg12 : memref<128x32xf32, #tpu.memory_space<vmem>>) offsets(%dma_start3A_8 : memref<128xi32, #tpu.memory_space<vmem>>) semaphore(%arg16 : memref<!tpu.dma_semaphore, #tpu.memory_space<semaphore_mem>>)
    %dma_start3A_12 = arith.constant 128 : i32
    %dma_start3A_13 = tpu.memref_slice %arg7[%dma_start3A_12] : memref<25600xi32, #tpu.memory_space<vmem>> -> memref<128xi32, #tpu.memory_space<vmem>>
    %dma_start3A_14 = arith.constant 0 : i32
    %dma_start3A_15 = arith.constant 0 : i32
    %dma_start3A_16 = tpu.memref_slice %arg3[%dma_start3A_14, %dma_start3A_15] : memref<1000000x32xf32, #tpu.memory_space<hbm>> -> memref<1000000x32xf32, #tpu.memory_space<hbm>>
    tpu.enqueue_indirect_dma source(%dma_start3A_16 : memref<1000000x32xf32, #tpu.memory_space<hbm>>) target(%arg9 : memref<128x32xf32, #tpu.memory_space<vmem>>) offsets(%dma_start3A_13 : memref<128xi32, #tpu.memory_space<vmem>>) semaphore(%arg17 : memref<!tpu.dma_semaphore, #tpu.memory_space<semaphore_mem>>)
    %dma_start3A_17 = arith.constant 128 : i32
    %dma_start3A_18 = tpu.memref_slice %arg7[%dma_start3A_17] : memref<25600xi32, #tpu.memory_space<vmem>> -> memref<128xi32, #tpu.memory_space<vmem>>
    %dma_start3A_19 = arith.constant 0 : i32
    %dma_start3A_20 = arith.constant 0 : i32
    %dma_start3A_21 = tpu.memref_slice %arg4[%dma_start3A_19, %dma_start3A_20] : memref<1000000x32xf32, #tpu.memory_space<hbm>> -> memref<1000000x32xf32, #tpu.memory_space<hbm>>
    tpu.enqueue_indirect_dma source(%dma_start3A_21 : memref<1000000x32xf32, #tpu.memory_space<hbm>>) target(%arg13 : memref<128x32xf32, #tpu.memory_space<vmem>>) offsets(%dma_start3A_18 : memref<128xi32, #tpu.memory_space<vmem>>) semaphore(%arg17 : memref<!tpu.dma_semaphore, #tpu.memory_space<semaphore_mem>>)
    %dma_start3A_22 = arith.constant 256 : i32
    %dma_start3A_23 = tpu.memref_slice %arg7[%dma_start3A_22] : memref<25600xi32, #tpu.memory_space<vmem>> -> memref<128xi32, #tpu.memory_space<vmem>>
    %dma_start3A_24 = arith.constant 0 : i32
    %dma_start3A_25 = arith.constant 0 : i32
    %dma_start3A_26 = tpu.memref_slice %arg3[%dma_start3A_24, %dma_start3A_25] : memref<1000000x32xf32, #tpu.memory_space<hbm>> -> memref<1000000x32xf32, #tpu.memory_space<hbm>>
    tpu.enqueue_indirect_dma source(%dma_start3A_26 : memref<1000000x32xf32, #tpu.memory_space<hbm>>) target(%arg10 : memref<128x32xf32, #tpu.memory_space<vmem>>) offsets(%dma_start3A_23 : memref<128xi32, #tpu.memory_space<vmem>>) semaphore(%arg18 : memref<!tpu.dma_semaphore, #tpu.memory_space<semaphore_mem>>)
    %dma_start3A_27 = arith.constant 256 : i32
    %dma_start3A_28 = tpu.memref_slice %arg7[%dma_start3A_27] : memref<25600xi32, #tpu.memory_space<vmem>> -> memref<128xi32, #tpu.memory_space<vmem>>
    %dma_start3A_29 = arith.constant 0 : i32
    %dma_start3A_30 = arith.constant 0 : i32
    %dma_start3A_31 = tpu.memref_slice %arg4[%dma_start3A_29, %dma_start3A_30] : memref<1000000x32xf32, #tpu.memory_space<hbm>> -> memref<1000000x32xf32, #tpu.memory_space<hbm>>
    tpu.enqueue_indirect_dma source(%dma_start3A_31 : memref<1000000x32xf32, #tpu.memory_space<hbm>>) target(%arg14 : memref<128x32xf32, #tpu.memory_space<vmem>>) offsets(%dma_start3A_28 : memref<128xi32, #tpu.memory_space<vmem>>) semaphore(%arg18 : memref<!tpu.dma_semaphore, #tpu.memory_space<semaphore_mem>>)
    %dma_start3A_32 = arith.constant 384 : i32
    %dma_start3A_33 = tpu.memref_slice %arg7[%dma_start3A_32] : memref<25600xi32, #tpu.memory_space<vmem>> -> memref<128xi32, #tpu.memory_space<vmem>>
    %dma_start3A_34 = arith.constant 0 : i32
    %dma_start3A_35 = arith.constant 0 : i32
    %dma_start3A_36 = tpu.memref_slice %arg3[%dma_start3A_34, %dma_start3A_35] : memref<1000000x32xf32, #tpu.memory_space<hbm>> -> memref<1000000x32xf32, #tpu.memory_space<hbm>>
    tpu.enqueue_indirect_dma source(%dma_start3A_36 : memref<1000000x32xf32, #tpu.memory_space<hbm>>) target(%arg11 : memref<128x32xf32, #tpu.memory_space<vmem>>) offsets(%dma_start3A_33 : memref<128xi32, #tpu.memory_space<vmem>>) semaphore(%arg19 : memref<!tpu.dma_semaphore, #tpu.memory_space<semaphore_mem>>)
    %dma_start3A_37 = arith.constant 384 : i32
    %dma_start3A_38 = tpu.memref_slice %arg7[%dma_start3A_37] : memref<25600xi32, #tpu.memory_space<vmem>> -> memref<128xi32, #tpu.memory_space<vmem>>
    %dma_start3A_39 = arith.constant 0 : i32
    %dma_start3A_40 = arith.constant 0 : i32
    %dma_start3A_41 = tpu.memref_slice %arg4[%dma_start3A_39, %dma_start3A_40] : memref<1000000x32xf32, #tpu.memory_space<hbm>> -> memref<1000000x32xf32, #tpu.memory_space<hbm>>
    tpu.enqueue_indirect_dma source(%dma_start3A_41 : memref<1000000x32xf32, #tpu.memory_space<hbm>>) target(%arg15 : memref<128x32xf32, #tpu.memory_space<vmem>>) offsets(%dma_start3A_38 : memref<128xi32, #tpu.memory_space<vmem>>) semaphore(%arg19 : memref<!tpu.dma_semaphore, #tpu.memory_space<semaphore_mem>>)
    %scan3A = arith.constant 0 : i32
    %scan3A_42 = arith.constant 0 : i32
    %scan3A_43 = arith.constant 49 : i32
    %scan3A_44 = arith.addi %scan3A_42, %scan3A_43 : i32
    %scan3A_45 = arith.constant 1 : i32
    scf.for %scan3A_182 = %scan3A_42 to %scan3A_44 step %scan3A_45  : i32 {
      %mul3A_183 = arith.constant 4 : i32
      %mul3A_184 = arith.muli %scan3A_182, %mul3A_183 : i32
      %add3A_185 = arith.constant 0 : i32
      %add3A_186 = arith.addi %mul3A_184, %add3A_185 : i32
      %mul3A_187 = arith.constant 128 : i32
      %mul3A_188 = arith.muli %add3A_186, %mul3A_187 : i32
      %dma_wait3A_189 = tpu.memref_slice %arg7[%mul3A_188] : memref<25600xi32, #tpu.memory_space<vmem>> -> memref<128xi32, #tpu.memory_space<vmem>>
      %dma_wait3A_190 = arith.constant 0 : i32
      %dma_wait3A_191 = arith.constant 0 : i32
      %dma_wait3A_192 = tpu.memref_slice %arg3[%dma_wait3A_190, %dma_wait3A_191] : memref<1000000x32xf32, #tpu.memory_space<hbm>> -> memref<1000000x32xf32, #tpu.memory_space<hbm>>
      tpu.wait_indirect_dma semaphore(%arg16 : memref<!tpu.dma_semaphore, #tpu.memory_space<semaphore_mem>>) src(%dma_wait3A_192 : memref<1000000x32xf32, #tpu.memory_space<hbm>>) dst(%arg8 : memref<128x32xf32, #tpu.memory_space<vmem>>)
      %mul3A_193 = arith.constant 128 : i32
      %mul3A_194 = arith.muli %add3A_186, %mul3A_193 : i32
      %dma_wait3A_195 = tpu.memref_slice %arg7[%mul3A_194] : memref<25600xi32, #tpu.memory_space<vmem>> -> memref<128xi32, #tpu.memory_space<vmem>>
      %dma_wait3A_196 = arith.constant 0 : i32
      %dma_wait3A_197 = arith.constant 0 : i32
      %dma_wait3A_198 = tpu.memref_slice %arg4[%dma_wait3A_196, %dma_wait3A_197] : memref<1000000x32xf32, #tpu.memory_space<hbm>> -> memref<1000000x32xf32, #tpu.memory_space<hbm>>
      tpu.wait_indirect_dma semaphore(%arg16 : memref<!tpu.dma_semaphore, #tpu.memory_space<semaphore_mem>>) src(%dma_wait3A_198 : memref<1000000x32xf32, #tpu.memory_space<hbm>>) dst(%arg12 : memref<128x32xf32, #tpu.memory_space<vmem>>)
      %mul3A_199 = arith.constant 128 : i32
      %mul3A_200 = arith.muli %add3A_186, %mul3A_199 : i32
      %add3A_201 = arith.addi %mul3A_2, %mul3A_200 : i32
      %dma_start3A_202 = arith.constant 0 : i32
      %dma_start3A_203 = tpu.memref_slice %arg5[%add3A_201, %dma_start3A_202] : memref<819200x32xf32, #tpu.memory_space<hbm>> -> memref<128x32xf32, #tpu.memory_space<hbm>>
      %dma_start3A_204 = arith.constant 0 : i32
      %dma_start3A_205 = tpu.memref_slice %arg5[%add3A_201, %dma_start3A_204] : memref<819200x32xf32, #tpu.memory_space<hbm>> -> memref<128x32xf32, #tpu.memory_space<hbm>>
      tpu.enqueue_dma source(%arg8 : memref<128x32xf32, #tpu.memory_space<vmem>>) target(%dma_start3A_205 : memref<128x32xf32, #tpu.memory_space<hbm>>) target_semaphore(%arg20 : memref<!tpu.dma_semaphore, #tpu.memory_space<semaphore_mem>>)
      %mul3A_206 = arith.constant 128 : i32
      %mul3A_207 = arith.muli %add3A_186, %mul3A_206 : i32
      %add3A_208 = arith.addi %mul3A_2, %mul3A_207 : i32
      %dma_start3A_209 = arith.constant 0 : i32
      %dma_start3A_210 = tpu.memref_slice %arg6[%add3A_208, %dma_start3A_209] : memref<819200x32xf32, #tpu.memory_space<hbm>> -> memref<128x32xf32, #tpu.memory_space<hbm>>
      %dma_start3A_211 = arith.constant 0 : i32
      %dma_start3A_212 = tpu.memref_slice %arg6[%add3A_208, %dma_start3A_211] : memref<819200x32xf32, #tpu.memory_space<hbm>> -> memref<128x32xf32, #tpu.memory_space<hbm>>
      tpu.enqueue_dma source(%arg12 : memref<128x32xf32, #tpu.memory_space<vmem>>) target(%dma_start3A_212 : memref<128x32xf32, #tpu.memory_space<hbm>>) target_semaphore(%arg20 : memref<!tpu.dma_semaphore, #tpu.memory_space<semaphore_mem>>)
      %mul3A_213 = arith.constant 4 : i32
      %mul3A_214 = arith.muli %scan3A_182, %mul3A_213 : i32
      %add3A_215 = arith.constant 1 : i32
      %add3A_216 = arith.addi %mul3A_214, %add3A_215 : i32
      %mul3A_217 = arith.constant 128 : i32
      %mul3A_218 = arith.muli %add3A_216, %mul3A_217 : i32
      %dma_wait3A_219 = tpu.memref_slice %arg7[%mul3A_218] : memref<25600xi32, #tpu.memory_space<vmem>> -> memref<128xi32, #tpu.memory_space<vmem>>
      %dma_wait3A_220 = arith.constant 0 : i32
      %dma_wait3A_221 = arith.constant 0 : i32
      %dma_wait3A_222 = tpu.memref_slice %arg3[%dma_wait3A_220, %dma_wait3A_221] : memref<1000000x32xf32, #tpu.memory_space<hbm>> -> memref<1000000x32xf32, #tpu.memory_space<hbm>>
      tpu.wait_indirect_dma semaphore(%arg17 : memref<!tpu.dma_semaphore, #tpu.memory_space<semaphore_mem>>) src(%dma_wait3A_222 : memref<1000000x32xf32, #tpu.memory_space<hbm>>) dst(%arg9 : memref<128x32xf32, #tpu.memory_space<vmem>>)
      %mul3A_223 = arith.constant 128 : i32
      %mul3A_224 = arith.muli %add3A_216, %mul3A_223 : i32
      %dma_wait3A_225 = tpu.memref_slice %arg7[%mul3A_224] : memref<25600xi32, #tpu.memory_space<vmem>> -> memref<128xi32, #tpu.memory_space<vmem>>
      %dma_wait3A_226 = arith.constant 0 : i32
      %dma_wait3A_227 = arith.constant 0 : i32
      %dma_wait3A_228 = tpu.memref_slice %arg4[%dma_wait3A_226, %dma_wait3A_227] : memref<1000000x32xf32, #tpu.memory_space<hbm>> -> memref<1000000x32xf32, #tpu.memory_space<hbm>>
      tpu.wait_indirect_dma semaphore(%arg17 : memref<!tpu.dma_semaphore, #tpu.memory_space<semaphore_mem>>) src(%dma_wait3A_228 : memref<1000000x32xf32, #tpu.memory_space<hbm>>) dst(%arg13 : memref<128x32xf32, #tpu.memory_space<vmem>>)
      %mul3A_229 = arith.constant 128 : i32
      %mul3A_230 = arith.muli %add3A_216, %mul3A_229 : i32
      %add3A_231 = arith.addi %mul3A_2, %mul3A_230 : i32
      %dma_start3A_232 = arith.constant 0 : i32
      %dma_start3A_233 = tpu.memref_slice %arg5[%add3A_231, %dma_start3A_232] : memref<819200x32xf32, #tpu.memory_space<hbm>> -> memref<128x32xf32, #tpu.memory_space<hbm>>
      %dma_start3A_234 = arith.constant 0 : i32
      %dma_start3A_235 = tpu.memref_slice %arg5[%add3A_231, %dma_start3A_234] : memref<819200x32xf32, #tpu.memory_space<hbm>> -> memref<128x32xf32, #tpu.memory_space<hbm>>
      tpu.enqueue_dma source(%arg9 : memref<128x32xf32, #tpu.memory_space<vmem>>) target(%dma_start3A_235 : memref<128x32xf32, #tpu.memory_space<hbm>>) target_semaphore(%arg21 : memref<!tpu.dma_semaphore, #tpu.memory_space<semaphore_mem>>)
      %mul3A_236 = arith.constant 128 : i32
      %mul3A_237 = arith.muli %add3A_216, %mul3A_236 : i32
      %add3A_238 = arith.addi %mul3A_2, %mul3A_237 : i32
      %dma_start3A_239 = arith.constant 0 : i32
      %dma_start3A_240 = tpu.memref_slice %arg6[%add3A_238, %dma_start3A_239] : memref<819200x32xf32, #tpu.memory_space<hbm>> -> memref<128x32xf32, #tpu.memory_space<hbm>>
      %dma_start3A_241 = arith.constant 0 : i32
      %dma_start3A_242 = tpu.memref_slice %arg6[%add3A_238, %dma_start3A_241] : memref<819200x32xf32, #tpu.memory_space<hbm>> -> memref<128x32xf32, #tpu.memory_space<hbm>>
      tpu.enqueue_dma source(%arg13 : memref<128x32xf32, #tpu.memory_space<vmem>>) target(%dma_start3A_242 : memref<128x32xf32, #tpu.memory_space<hbm>>) target_semaphore(%arg21 : memref<!tpu.dma_semaphore, #tpu.memory_space<semaphore_mem>>)
      %mul3A_243 = arith.constant 4 : i32
      %mul3A_244 = arith.muli %scan3A_182, %mul3A_243 : i32
      %add3A_245 = arith.constant 2 : i32
      %add3A_246 = arith.addi %mul3A_244, %add3A_245 : i32
      %mul3A_247 = arith.constant 128 : i32
      %mul3A_248 = arith.muli %add3A_246, %mul3A_247 : i32
      %dma_wait3A_249 = tpu.memref_slice %arg7[%mul3A_248] : memref<25600xi32, #tpu.memory_space<vmem>> -> memref<128xi32, #tpu.memory_space<vmem>>
      %dma_wait3A_250 = arith.constant 0 : i32
      %dma_wait3A_251 = arith.constant 0 : i32
      %dma_wait3A_252 = tpu.memref_slice %arg3[%dma_wait3A_250, %dma_wait3A_251] : memref<1000000x32xf32, #tpu.memory_space<hbm>> -> memref<1000000x32xf32, #tpu.memory_space<hbm>>
      tpu.wait_indirect_dma semaphore(%arg18 : memref<!tpu.dma_semaphore, #tpu.memory_space<semaphore_mem>>) src(%dma_wait3A_252 : memref<1000000x32xf32, #tpu.memory_space<hbm>>) dst(%arg10 : memref<128x32xf32, #tpu.memory_space<vmem>>)
      %mul3A_253 = arith.constant 128 : i32
      %mul3A_254 = arith.muli %add3A_246, %mul3A_253 : i32
      %dma_wait3A_255 = tpu.memref_slice %arg7[%mul3A_254] : memref<25600xi32, #tpu.memory_space<vmem>> -> memref<128xi32, #tpu.memory_space<vmem>>
      %dma_wait3A_256 = arith.constant 0 : i32
      %dma_wait3A_257 = arith.constant 0 : i32
      %dma_wait3A_258 = tpu.memref_slice %arg4[%dma_wait3A_256, %dma_wait3A_257] : memref<1000000x32xf32, #tpu.memory_space<hbm>> -> memref<1000000x32xf32, #tpu.memory_space<hbm>>
      tpu.wait_indirect_dma semaphore(%arg18 : memref<!tpu.dma_semaphore, #tpu.memory_space<semaphore_mem>>) src(%dma_wait3A_258 : memref<1000000x32xf32, #tpu.memory_space<hbm>>) dst(%arg14 : memref<128x32xf32, #tpu.memory_space<vmem>>)
      %mul3A_259 = arith.constant 128 : i32
      %mul3A_260 = arith.muli %add3A_246, %mul3A_259 : i32
      %add3A_261 = arith.addi %mul3A_2, %mul3A_260 : i32
      %dma_start3A_262 = arith.constant 0 : i32
      %dma_start3A_263 = tpu.memref_slice %arg5[%add3A_261, %dma_start3A_262] : memref<819200x32xf32, #tpu.memory_space<hbm>> -> memref<128x32xf32, #tpu.memory_space<hbm>>
      %dma_start3A_264 = arith.constant 0 : i32
      %dma_start3A_265 = tpu.memref_slice %arg5[%add3A_261, %dma_start3A_264] : memref<819200x32xf32, #tpu.memory_space<hbm>> -> memref<128x32xf32, #tpu.memory_space<hbm>>
      tpu.enqueue_dma source(%arg10 : memref<128x32xf32, #tpu.memory_space<vmem>>) target(%dma_start3A_265 : memref<128x32xf32, #tpu.memory_space<hbm>>) target_semaphore(%arg22 : memref<!tpu.dma_semaphore, #tpu.memory_space<semaphore_mem>>)
      %mul3A_266 = arith.constant 128 : i32
      %mul3A_267 = arith.muli %add3A_246, %mul3A_266 : i32
      %add3A_268 = arith.addi %mul3A_2, %mul3A_267 : i32
      %dma_start3A_269 = arith.constant 0 : i32
      %dma_start3A_270 = tpu.memref_slice %arg6[%add3A_268, %dma_start3A_269] : memref<819200x32xf32, #tpu.memory_space<hbm>> -> memref<128x32xf32, #tpu.memory_space<hbm>>
      %dma_start3A_271 = arith.constant 0 : i32
      %dma_start3A_272 = tpu.memref_slice %arg6[%add3A_268, %dma_start3A_271] : memref<819200x32xf32, #tpu.memory_space<hbm>> -> memref<128x32xf32, #tpu.memory_space<hbm>>
      tpu.enqueue_dma source(%arg14 : memref<128x32xf32, #tpu.memory_space<vmem>>) target(%dma_start3A_272 : memref<128x32xf32, #tpu.memory_space<hbm>>) target_semaphore(%arg22 : memref<!tpu.dma_semaphore, #tpu.memory_space<semaphore_mem>>)
      %mul3A_273 = arith.constant 4 : i32
      %mul3A_274 = arith.muli %scan3A_182, %mul3A_273 : i32
      %add3A_275 = arith.constant 3 : i32
      %add3A_276 = arith.addi %mul3A_274, %add3A_275 : i32
      %mul3A_277 = arith.constant 128 : i32
      %mul3A_278 = arith.muli %add3A_276, %mul3A_277 : i32
      %dma_wait3A_279 = tpu.memref_slice %arg7[%mul3A_278] : memref<25600xi32, #tpu.memory_space<vmem>> -> memref<128xi32, #tpu.memory_space<vmem>>
      %dma_wait3A_280 = arith.constant 0 : i32
      %dma_wait3A_281 = arith.constant 0 : i32
      %dma_wait3A_282 = tpu.memref_slice %arg3[%dma_wait3A_280, %dma_wait3A_281] : memref<1000000x32xf32, #tpu.memory_space<hbm>> -> memref<1000000x32xf32, #tpu.memory_space<hbm>>
      tpu.wait_indirect_dma semaphore(%arg19 : memref<!tpu.dma_semaphore, #tpu.memory_space<semaphore_mem>>) src(%dma_wait3A_282 : memref<1000000x32xf32, #tpu.memory_space<hbm>>) dst(%arg11 : memref<128x32xf32, #tpu.memory_space<vmem>>)
      %mul3A_283 = arith.constant 128 : i32
      %mul3A_284 = arith.muli %add3A_276, %mul3A_283 : i32
      %dma_wait3A_285 = tpu.memref_slice %arg7[%mul3A_284] : memref<25600xi32, #tpu.memory_space<vmem>> -> memref<128xi32, #tpu.memory_space<vmem>>
      %dma_wait3A_286 = arith.constant 0 : i32
      %dma_wait3A_287 = arith.constant 0 : i32
      %dma_wait3A_288 = tpu.memref_slice %arg4[%dma_wait3A_286, %dma_wait3A_287] : memref<1000000x32xf32, #tpu.memory_space<hbm>> -> memref<1000000x32xf32, #tpu.memory_space<hbm>>
      tpu.wait_indirect_dma semaphore(%arg19 : memref<!tpu.dma_semaphore, #tpu.memory_space<semaphore_mem>>) src(%dma_wait3A_288 : memref<1000000x32xf32, #tpu.memory_space<hbm>>) dst(%arg15 : memref<128x32xf32, #tpu.memory_space<vmem>>)
      %mul3A_289 = arith.constant 128 : i32
      %mul3A_290 = arith.muli %add3A_276, %mul3A_289 : i32
      %add3A_291 = arith.addi %mul3A_2, %mul3A_290 : i32
      %dma_start3A_292 = arith.constant 0 : i32
      %dma_start3A_293 = tpu.memref_slice %arg5[%add3A_291, %dma_start3A_292] : memref<819200x32xf32, #tpu.memory_space<hbm>> -> memref<128x32xf32, #tpu.memory_space<hbm>>
      %dma_start3A_294 = arith.constant 0 : i32
      %dma_start3A_295 = tpu.memref_slice %arg5[%add3A_291, %dma_start3A_294] : memref<819200x32xf32, #tpu.memory_space<hbm>> -> memref<128x32xf32, #tpu.memory_space<hbm>>
      tpu.enqueue_dma source(%arg11 : memref<128x32xf32, #tpu.memory_space<vmem>>) target(%dma_start3A_295 : memref<128x32xf32, #tpu.memory_space<hbm>>) target_semaphore(%arg23 : memref<!tpu.dma_semaphore, #tpu.memory_space<semaphore_mem>>)
      %mul3A_296 = arith.constant 128 : i32
      %mul3A_297 = arith.muli %add3A_276, %mul3A_296 : i32
      %add3A_298 = arith.addi %mul3A_2, %mul3A_297 : i32
      %dma_start3A_299 = arith.constant 0 : i32
      %dma_start3A_300 = tpu.memref_slice %arg6[%add3A_298, %dma_start3A_299] : memref<819200x32xf32, #tpu.memory_space<hbm>> -> memref<128x32xf32, #tpu.memory_space<hbm>>
      %dma_start3A_301 = arith.constant 0 : i32
      %dma_start3A_302 = tpu.memref_slice %arg6[%add3A_298, %dma_start3A_301] : memref<819200x32xf32, #tpu.memory_space<hbm>> -> memref<128x32xf32, #tpu.memory_space<hbm>>
      tpu.enqueue_dma source(%arg15 : memref<128x32xf32, #tpu.memory_space<vmem>>) target(%dma_start3A_302 : memref<128x32xf32, #tpu.memory_space<hbm>>) target_semaphore(%arg23 : memref<!tpu.dma_semaphore, #tpu.memory_space<semaphore_mem>>)
      %mul3A_303 = arith.constant 4 : i32
      %mul3A_304 = arith.muli %scan3A_182, %mul3A_303 : i32
      %add3A_305 = arith.constant 0 : i32
      %add3A_306 = arith.addi %mul3A_304, %add3A_305 : i32
      %mul3A_307 = arith.constant 128 : i32
      %mul3A_308 = arith.muli %add3A_306, %mul3A_307 : i32
      %add3A_309 = arith.addi %mul3A_2, %mul3A_308 : i32
      %dma_wait3A_310 = arith.constant 0 : i32
      %dma_wait3A_311 = tpu.memref_slice %arg5[%add3A_309, %dma_wait3A_310] : memref<819200x32xf32, #tpu.memory_space<hbm>> -> memref<128x32xf32, #tpu.memory_space<hbm>>
      %dma_wait3A_312 = arith.constant 0 : i32
      %dma_wait3A_313 = tpu.memref_slice %arg5[%add3A_309, %dma_wait3A_312] : memref<819200x32xf32, #tpu.memory_space<hbm>> -> memref<128x32xf32, #tpu.memory_space<hbm>>
      tpu.wait_dma2 semaphore(%arg20 : memref<!tpu.dma_semaphore, #tpu.memory_space<semaphore_mem>>) src(%arg8 : memref<128x32xf32, #tpu.memory_space<vmem>>) dst(%dma_wait3A_313 : memref<128x32xf32, #tpu.memory_space<hbm>>)
      %mul3A_314 = arith.constant 128 : i32
      %mul3A_315 = arith.muli %add3A_306, %mul3A_314 : i32
      %add3A_316 = arith.addi %mul3A_2, %mul3A_315 : i32
      %dma_wait3A_317 = arith.constant 0 : i32
      %dma_wait3A_318 = tpu.memref_slice %arg6[%add3A_316, %dma_wait3A_317] : memref<819200x32xf32, #tpu.memory_space<hbm>> -> memref<128x32xf32, #tpu.memory_space<hbm>>
      %dma_wait3A_319 = arith.constant 0 : i32
      %dma_wait3A_320 = tpu.memref_slice %arg6[%add3A_316, %dma_wait3A_319] : memref<819200x32xf32, #tpu.memory_space<hbm>> -> memref<128x32xf32, #tpu.memory_space<hbm>>
      tpu.wait_dma2 semaphore(%arg20 : memref<!tpu.dma_semaphore, #tpu.memory_space<semaphore_mem>>) src(%arg12 : memref<128x32xf32, #tpu.memory_space<vmem>>) dst(%dma_wait3A_320 : memref<128x32xf32, #tpu.memory_space<hbm>>)
      %add3A_321 = arith.constant 4 : i32
      %add3A_322 = arith.addi %add3A_306, %add3A_321 : i32
      %mul3A_323 = arith.constant 128 : i32
      %mul3A_324 = arith.muli %add3A_322, %mul3A_323 : i32
      %dma_start3A_325 = tpu.memref_slice %arg7[%mul3A_324] : memref<25600xi32, #tpu.memory_space<vmem>> -> memref<128xi32, #tpu.memory_space<vmem>>
      %dma_start3A_326 = arith.constant 0 : i32
      %dma_start3A_327 = arith.constant 0 : i32
      %dma_start3A_328 = tpu.memref_slice %arg3[%dma_start3A_326, %dma_start3A_327] : memref<1000000x32xf32, #tpu.memory_space<hbm>> -> memref<1000000x32xf32, #tpu.memory_space<hbm>>
      tpu.enqueue_indirect_dma source(%dma_start3A_328 : memref<1000000x32xf32, #tpu.memory_space<hbm>>) target(%arg8 : memref<128x32xf32, #tpu.memory_space<vmem>>) offsets(%dma_start3A_325 : memref<128xi32, #tpu.memory_space<vmem>>) semaphore(%arg16 : memref<!tpu.dma_semaphore, #tpu.memory_space<semaphore_mem>>)
      %mul3A_329 = arith.constant 128 : i32
      %mul3A_330 = arith.muli %add3A_322, %mul3A_329 : i32
      %dma_start3A_331 = tpu.memref_slice %arg7[%mul3A_330] : memref<25600xi32, #tpu.memory_space<vmem>> -> memref<128xi32, #tpu.memory_space<vmem>>
      %dma_start3A_332 = arith.constant 0 : i32
      %dma_start3A_333 = arith.constant 0 : i32
      %dma_start3A_334 = tpu.memref_slice %arg4[%dma_start3A_332, %dma_start3A_333] : memref<1000000x32xf32, #tpu.memory_space<hbm>> -> memref<1000000x32xf32, #tpu.memory_space<hbm>>
      tpu.enqueue_indirect_dma source(%dma_start3A_334 : memref<1000000x32xf32, #tpu.memory_space<hbm>>) target(%arg12 : memref<128x32xf32, #tpu.memory_space<vmem>>) offsets(%dma_start3A_331 : memref<128xi32, #tpu.memory_space<vmem>>) semaphore(%arg16 : memref<!tpu.dma_semaphore, #tpu.memory_space<semaphore_mem>>)
      %mul3A_335 = arith.constant 4 : i32
      %mul3A_336 = arith.muli %scan3A_182, %mul3A_335 : i32
      %add3A_337 = arith.constant 1 : i32
      %add3A_338 = arith.addi %mul3A_336, %add3A_337 : i32
      %mul3A_339 = arith.constant 128 : i32
      %mul3A_340 = arith.muli %add3A_338, %mul3A_339 : i32
      %add3A_341 = arith.addi %mul3A_2, %mul3A_340 : i32
      %dma_wait3A_342 = arith.constant 0 : i32
      %dma_wait3A_343 = tpu.memref_slice %arg5[%add3A_341, %dma_wait3A_342] : memref<819200x32xf32, #tpu.memory_space<hbm>> -> memref<128x32xf32, #tpu.memory_space<hbm>>
      %dma_wait3A_344 = arith.constant 0 : i32
      %dma_wait3A_345 = tpu.memref_slice %arg5[%add3A_341, %dma_wait3A_344] : memref<819200x32xf32, #tpu.memory_space<hbm>> -> memref<128x32xf32, #tpu.memory_space<hbm>>
      tpu.wait_dma2 semaphore(%arg21 : memref<!tpu.dma_semaphore, #tpu.memory_space<semaphore_mem>>) src(%arg9 : memref<128x32xf32, #tpu.memory_space<vmem>>) dst(%dma_wait3A_345 : memref<128x32xf32, #tpu.memory_space<hbm>>)
      %mul3A_346 = arith.constant 128 : i32
      %mul3A_347 = arith.muli %add3A_338, %mul3A_346 : i32
      %add3A_348 = arith.addi %mul3A_2, %mul3A_347 : i32
      %dma_wait3A_349 = arith.constant 0 : i32
      %dma_wait3A_350 = tpu.memref_slice %arg6[%add3A_348, %dma_wait3A_349] : memref<819200x32xf32, #tpu.memory_space<hbm>> -> memref<128x32xf32, #tpu.memory_space<hbm>>
      %dma_wait3A_351 = arith.constant 0 : i32
      %dma_wait3A_352 = tpu.memref_slice %arg6[%add3A_348, %dma_wait3A_351] : memref<819200x32xf32, #tpu.memory_space<hbm>> -> memref<128x32xf32, #tpu.memory_space<hbm>>
      tpu.wait_dma2 semaphore(%arg21 : memref<!tpu.dma_semaphore, #tpu.memory_space<semaphore_mem>>) src(%arg13 : memref<128x32xf32, #tpu.memory_space<vmem>>) dst(%dma_wait3A_352 : memref<128x32xf32, #tpu.memory_space<hbm>>)
      %add3A_353 = arith.constant 4 : i32
      %add3A_354 = arith.addi %add3A_338, %add3A_353 : i32
      %mul3A_355 = arith.constant 128 : i32
      %mul3A_356 = arith.muli %add3A_354, %mul3A_355 : i32
      %dma_start3A_357 = tpu.memref_slice %arg7[%mul3A_356] : memref<25600xi32, #tpu.memory_space<vmem>> -> memref<128xi32, #tpu.memory_space<vmem>>
      %dma_start3A_358 = arith.constant 0 : i32
      %dma_start3A_359 = arith.constant 0 : i32
      %dma_start3A_360 = tpu.memref_slice %arg3[%dma_start3A_358, %dma_start3A_359] : memref<1000000x32xf32, #tpu.memory_space<hbm>> -> memref<1000000x32xf32, #tpu.memory_space<hbm>>
      tpu.enqueue_indirect_dma source(%dma_start3A_360 : memref<1000000x32xf32, #tpu.memory_space<hbm>>) target(%arg9 : memref<128x32xf32, #tpu.memory_space<vmem>>) offsets(%dma_start3A_357 : memref<128xi32, #tpu.memory_space<vmem>>) semaphore(%arg17 : memref<!tpu.dma_semaphore, #tpu.memory_space<semaphore_mem>>)
      %mul3A_361 = arith.constant 128 : i32
      %mul3A_362 = arith.muli %add3A_354, %mul3A_361 : i32
      %dma_start3A_363 = tpu.memref_slice %arg7[%mul3A_362] : memref<25600xi32, #tpu.memory_space<vmem>> -> memref<128xi32, #tpu.memory_space<vmem>>
      %dma_start3A_364 = arith.constant 0 : i32
      %dma_start3A_365 = arith.constant 0 : i32
      %dma_start3A_366 = tpu.memref_slice %arg4[%dma_start3A_364, %dma_start3A_365] : memref<1000000x32xf32, #tpu.memory_space<hbm>> -> memref<1000000x32xf32, #tpu.memory_space<hbm>>
      tpu.enqueue_indirect_dma source(%dma_start3A_366 : memref<1000000x32xf32, #tpu.memory_space<hbm>>) target(%arg13 : memref<128x32xf32, #tpu.memory_space<vmem>>) offsets(%dma_start3A_363 : memref<128xi32, #tpu.memory_space<vmem>>) semaphore(%arg17 : memref<!tpu.dma_semaphore, #tpu.memory_space<semaphore_mem>>)
      %mul3A_367 = arith.constant 4 : i32
      %mul3A_368 = arith.muli %scan3A_182, %mul3A_367 : i32
      %add3A_369 = arith.constant 2 : i32
      %add3A_370 = arith.addi %mul3A_368, %add3A_369 : i32
      %mul3A_371 = arith.constant 128 : i32
      %mul3A_372 = arith.muli %add3A_370, %mul3A_371 : i32
      %add3A_373 = arith.addi %mul3A_2, %mul3A_372 : i32
      %dma_wait3A_374 = arith.constant 0 : i32
      %dma_wait3A_375 = tpu.memref_slice %arg5[%add3A_373, %dma_wait3A_374] : memref<819200x32xf32, #tpu.memory_space<hbm>> -> memref<128x32xf32, #tpu.memory_space<hbm>>
      %dma_wait3A_376 = arith.constant 0 : i32
      %dma_wait3A_377 = tpu.memref_slice %arg5[%add3A_373, %dma_wait3A_376] : memref<819200x32xf32, #tpu.memory_space<hbm>> -> memref<128x32xf32, #tpu.memory_space<hbm>>
      tpu.wait_dma2 semaphore(%arg22 : memref<!tpu.dma_semaphore, #tpu.memory_space<semaphore_mem>>) src(%arg10 : memref<128x32xf32, #tpu.memory_space<vmem>>) dst(%dma_wait3A_377 : memref<128x32xf32, #tpu.memory_space<hbm>>)
      %mul3A_378 = arith.constant 128 : i32
      %mul3A_379 = arith.muli %add3A_370, %mul3A_378 : i32
      %add3A_380 = arith.addi %mul3A_2, %mul3A_379 : i32
      %dma_wait3A_381 = arith.constant 0 : i32
      %dma_wait3A_382 = tpu.memref_slice %arg6[%add3A_380, %dma_wait3A_381] : memref<819200x32xf32, #tpu.memory_space<hbm>> -> memref<128x32xf32, #tpu.memory_space<hbm>>
      %dma_wait3A_383 = arith.constant 0 : i32
      %dma_wait3A_384 = tpu.memref_slice %arg6[%add3A_380, %dma_wait3A_383] : memref<819200x32xf32, #tpu.memory_space<hbm>> -> memref<128x32xf32, #tpu.memory_space<hbm>>
      tpu.wait_dma2 semaphore(%arg22 : memref<!tpu.dma_semaphore, #tpu.memory_space<semaphore_mem>>) src(%arg14 : memref<128x32xf32, #tpu.memory_space<vmem>>) dst(%dma_wait3A_384 : memref<128x32xf32, #tpu.memory_space<hbm>>)
      %add3A_385 = arith.constant 4 : i32
      %add3A_386 = arith.addi %add3A_370, %add3A_385 : i32
      %mul3A_387 = arith.constant 128 : i32
      %mul3A_388 = arith.muli %add3A_386, %mul3A_387 : i32
      %dma_start3A_389 = tpu.memref_slice %arg7[%mul3A_388] : memref<25600xi32, #tpu.memory_space<vmem>> -> memref<128xi32, #tpu.memory_space<vmem>>
      %dma_start3A_390 = arith.constant 0 : i32
      %dma_start3A_391 = arith.constant 0 : i32
      %dma_start3A_392 = tpu.memref_slice %arg3[%dma_start3A_390, %dma_start3A_391] : memref<1000000x32xf32, #tpu.memory_space<hbm>> -> memref<1000000x32xf32, #tpu.memory_space<hbm>>
      tpu.enqueue_indirect_dma source(%dma_start3A_392 : memref<1000000x32xf32, #tpu.memory_space<hbm>>) target(%arg10 : memref<128x32xf32, #tpu.memory_space<vmem>>) offsets(%dma_start3A_389 : memref<128xi32, #tpu.memory_space<vmem>>) semaphore(%arg18 : memref<!tpu.dma_semaphore, #tpu.memory_space<semaphore_mem>>)
      %mul3A_393 = arith.constant 128 : i32
      %mul3A_394 = arith.muli %add3A_386, %mul3A_393 : i32
      %dma_start3A_395 = tpu.memref_slice %arg7[%mul3A_394] : memref<25600xi32, #tpu.memory_space<vmem>> -> memref<128xi32, #tpu.memory_space<vmem>>
      %dma_start3A_396 = arith.constant 0 : i32
      %dma_start3A_397 = arith.constant 0 : i32
      %dma_start3A_398 = tpu.memref_slice %arg4[%dma_start3A_396, %dma_start3A_397] : memref<1000000x32xf32, #tpu.memory_space<hbm>> -> memref<1000000x32xf32, #tpu.memory_space<hbm>>
      tpu.enqueue_indirect_dma source(%dma_start3A_398 : memref<1000000x32xf32, #tpu.memory_space<hbm>>) target(%arg14 : memref<128x32xf32, #tpu.memory_space<vmem>>) offsets(%dma_start3A_395 : memref<128xi32, #tpu.memory_space<vmem>>) semaphore(%arg18 : memref<!tpu.dma_semaphore, #tpu.memory_space<semaphore_mem>>)
      %mul3A_399 = arith.constant 4 : i32
      %mul3A_400 = arith.muli %scan3A_182, %mul3A_399 : i32
      %add3A_401 = arith.constant 3 : i32
      %add3A_402 = arith.addi %mul3A_400, %add3A_401 : i32
      %mul3A_403 = arith.constant 128 : i32
      %mul3A_404 = arith.muli %add3A_402, %mul3A_403 : i32
      %add3A_405 = arith.addi %mul3A_2, %mul3A_404 : i32
      %dma_wait3A_406 = arith.constant 0 : i32
      %dma_wait3A_407 = tpu.memref_slice %arg5[%add3A_405, %dma_wait3A_406] : memref<819200x32xf32, #tpu.memory_space<hbm>> -> memref<128x32xf32, #tpu.memory_space<hbm>>
      %dma_wait3A_408 = arith.constant 0 : i32
      %dma_wait3A_409 = tpu.memref_slice %arg5[%add3A_405, %dma_wait3A_408] : memref<819200x32xf32, #tpu.memory_space<hbm>> -> memref<128x32xf32, #tpu.memory_space<hbm>>
      tpu.wait_dma2 semaphore(%arg23 : memref<!tpu.dma_semaphore, #tpu.memory_space<semaphore_mem>>) src(%arg11 : memref<128x32xf32, #tpu.memory_space<vmem>>) dst(%dma_wait3A_409 : memref<128x32xf32, #tpu.memory_space<hbm>>)
      %mul3A_410 = arith.constant 128 : i32
      %mul3A_411 = arith.muli %add3A_402, %mul3A_410 : i32
      %add3A_412 = arith.addi %mul3A_2, %mul3A_411 : i32
      %dma_wait3A_413 = arith.constant 0 : i32
      %dma_wait3A_414 = tpu.memref_slice %arg6[%add3A_412, %dma_wait3A_413] : memref<819200x32xf32, #tpu.memory_space<hbm>> -> memref<128x32xf32, #tpu.memory_space<hbm>>
      %dma_wait3A_415 = arith.constant 0 : i32
      %dma_wait3A_416 = tpu.memref_slice %arg6[%add3A_412, %dma_wait3A_415] : memref<819200x32xf32, #tpu.memory_space<hbm>> -> memref<128x32xf32, #tpu.memory_space<hbm>>
      tpu.wait_dma2 semaphore(%arg23 : memref<!tpu.dma_semaphore, #tpu.memory_space<semaphore_mem>>) src(%arg15 : memref<128x32xf32, #tpu.memory_space<vmem>>) dst(%dma_wait3A_416 : memref<128x32xf32, #tpu.memory_space<hbm>>)
      %add3A_417 = arith.constant 4 : i32
      %add3A_418 = arith.addi %add3A_402, %add3A_417 : i32
      %mul3A_419 = arith.constant 128 : i32
      %mul3A_420 = arith.muli %add3A_418, %mul3A_419 : i32
      %dma_start3A_421 = tpu.memref_slice %arg7[%mul3A_420] : memref<25600xi32, #tpu.memory_space<vmem>> -> memref<128xi32, #tpu.memory_space<vmem>>
      %dma_start3A_422 = arith.constant 0 : i32
      %dma_start3A_423 = arith.constant 0 : i32
      %dma_start3A_424 = tpu.memref_slice %arg3[%dma_start3A_422, %dma_start3A_423] : memref<1000000x32xf32, #tpu.memory_space<hbm>> -> memref<1000000x32xf32, #tpu.memory_space<hbm>>
      tpu.enqueue_indirect_dma source(%dma_start3A_424 : memref<1000000x32xf32, #tpu.memory_space<hbm>>) target(%arg11 : memref<128x32xf32, #tpu.memory_space<vmem>>) offsets(%dma_start3A_421 : memref<128xi32, #tpu.memory_space<vmem>>) semaphore(%arg19 : memref<!tpu.dma_semaphore, #tpu.memory_space<semaphore_mem>>)
      %mul3A_425 = arith.constant 128 : i32
      %mul3A_426 = arith.muli %add3A_418, %mul3A_425 : i32
      %dma_start3A_427 = tpu.memref_slice %arg7[%mul3A_426] : memref<25600xi32, #tpu.memory_space<vmem>> -> memref<128xi32, #tpu.memory_space<vmem>>
      %dma_start3A_428 = arith.constant 0 : i32
      %dma_start3A_429 = arith.constant 0 : i32
      %dma_start3A_430 = tpu.memref_slice %arg4[%dma_start3A_428, %dma_start3A_429] : memref<1000000x32xf32, #tpu.memory_space<hbm>> -> memref<1000000x32xf32, #tpu.memory_space<hbm>>
      tpu.enqueue_indirect_dma source(%dma_start3A_430 : memref<1000000x32xf32, #tpu.memory_space<hbm>>) target(%arg15 : memref<128x32xf32, #tpu.memory_space<vmem>>) offsets(%dma_start3A_427 : memref<128xi32, #tpu.memory_space<vmem>>) semaphore(%arg19 : memref<!tpu.dma_semaphore, #tpu.memory_space<semaphore_mem>>)
    }
    %scan3A_46 = arith.constant 49 : i32
    %dma_wait3A = arith.constant 25088 : i32
    %dma_wait3A_47 = tpu.memref_slice %arg7[%dma_wait3A] : memref<25600xi32, #tpu.memory_space<vmem>> -> memref<128xi32, #tpu.memory_space<vmem>>
    %dma_wait3A_48 = arith.constant 0 : i32
    %dma_wait3A_49 = arith.constant 0 : i32
    %dma_wait3A_50 = tpu.memref_slice %arg3[%dma_wait3A_48, %dma_wait3A_49] : memref<1000000x32xf32, #tpu.memory_space<hbm>> -> memref<1000000x32xf32, #tpu.memory_space<hbm>>
    tpu.wait_indirect_dma semaphore(%arg16 : memref<!tpu.dma_semaphore, #tpu.memory_space<semaphore_mem>>) src(%dma_wait3A_50 : memref<1000000x32xf32, #tpu.memory_space<hbm>>) dst(%arg8 : memref<128x32xf32, #tpu.memory_space<vmem>>)
    %dma_wait3A_51 = arith.constant 25088 : i32
    %dma_wait3A_52 = tpu.memref_slice %arg7[%dma_wait3A_51] : memref<25600xi32, #tpu.memory_space<vmem>> -> memref<128xi32, #tpu.memory_space<vmem>>
    %dma_wait3A_53 = arith.constant 0 : i32
    %dma_wait3A_54 = arith.constant 0 : i32
    %dma_wait3A_55 = tpu.memref_slice %arg4[%dma_wait3A_53, %dma_wait3A_54] : memref<1000000x32xf32, #tpu.memory_space<hbm>> -> memref<1000000x32xf32, #tpu.memory_space<hbm>>
    tpu.wait_indirect_dma semaphore(%arg16 : memref<!tpu.dma_semaphore, #tpu.memory_space<semaphore_mem>>) src(%dma_wait3A_55 : memref<1000000x32xf32, #tpu.memory_space<hbm>>) dst(%arg12 : memref<128x32xf32, #tpu.memory_space<vmem>>)
    %add3A_56 = arith.constant 25088 : i32
    %add3A_57 = arith.addi %mul3A_2, %add3A_56 : i32
    %dma_start3A_58 = arith.constant 0 : i32
    %dma_start3A_59 = tpu.memref_slice %arg5[%add3A_57, %dma_start3A_58] : memref<819200x32xf32, #tpu.memory_space<hbm>> -> memref<128x32xf32, #tpu.memory_space<hbm>>
    %dma_start3A_60 = arith.constant 0 : i32
    %dma_start3A_61 = tpu.memref_slice %arg5[%add3A_57, %dma_start3A_60] : memref<819200x32xf32, #tpu.memory_space<hbm>> -> memref<128x32xf32, #tpu.memory_space<hbm>>
    tpu.enqueue_dma source(%arg8 : memref<128x32xf32, #tpu.memory_space<vmem>>) target(%dma_start3A_61 : memref<128x32xf32, #tpu.memory_space<hbm>>) target_semaphore(%arg20 : memref<!tpu.dma_semaphore, #tpu.memory_space<semaphore_mem>>)
    %add3A_62 = arith.constant 25088 : i32
    %add3A_63 = arith.addi %mul3A_2, %add3A_62 : i32
    %dma_start3A_64 = arith.constant 0 : i32
    %dma_start3A_65 = tpu.memref_slice %arg6[%add3A_63, %dma_start3A_64] : memref<819200x32xf32, #tpu.memory_space<hbm>> -> memref<128x32xf32, #tpu.memory_space<hbm>>
    %dma_start3A_66 = arith.constant 0 : i32
    %dma_start3A_67 = tpu.memref_slice %arg6[%add3A_63, %dma_start3A_66] : memref<819200x32xf32, #tpu.memory_space<hbm>> -> memref<128x32xf32, #tpu.memory_space<hbm>>
    tpu.enqueue_dma source(%arg12 : memref<128x32xf32, #tpu.memory_space<vmem>>) target(%dma_start3A_67 : memref<128x32xf32, #tpu.memory_space<hbm>>) target_semaphore(%arg20 : memref<!tpu.dma_semaphore, #tpu.memory_space<semaphore_mem>>)
    %dma_wait3A_68 = arith.constant 25216 : i32
    %dma_wait3A_69 = tpu.memref_slice %arg7[%dma_wait3A_68] : memref<25600xi32, #tpu.memory_space<vmem>> -> memref<128xi32, #tpu.memory_space<vmem>>
    %dma_wait3A_70 = arith.constant 0 : i32
    %dma_wait3A_71 = arith.constant 0 : i32
    %dma_wait3A_72 = tpu.memref_slice %arg3[%dma_wait3A_70, %dma_wait3A_71] : memref<1000000x32xf32, #tpu.memory_space<hbm>> -> memref<1000000x32xf32, #tpu.memory_space<hbm>>
    tpu.wait_indirect_dma semaphore(%arg17 : memref<!tpu.dma_semaphore, #tpu.memory_space<semaphore_mem>>) src(%dma_wait3A_72 : memref<1000000x32xf32, #tpu.memory_space<hbm>>) dst(%arg9 : memref<128x32xf32, #tpu.memory_space<vmem>>)
    %dma_wait3A_73 = arith.constant 25216 : i32
    %dma_wait3A_74 = tpu.memref_slice %arg7[%dma_wait3A_73] : memref<25600xi32, #tpu.memory_space<vmem>> -> memref<128xi32, #tpu.memory_space<vmem>>
    %dma_wait3A_75 = arith.constant 0 : i32
    %dma_wait3A_76 = arith.constant 0 : i32
    %dma_wait3A_77 = tpu.memref_slice %arg4[%dma_wait3A_75, %dma_wait3A_76] : memref<1000000x32xf32, #tpu.memory_space<hbm>> -> memref<1000000x32xf32, #tpu.memory_space<hbm>>
    tpu.wait_indirect_dma semaphore(%arg17 : memref<!tpu.dma_semaphore, #tpu.memory_space<semaphore_mem>>) src(%dma_wait3A_77 : memref<1000000x32xf32, #tpu.memory_space<hbm>>) dst(%arg13 : memref<128x32xf32, #tpu.memory_space<vmem>>)
    %add3A_78 = arith.constant 25216 : i32
    %add3A_79 = arith.addi %mul3A_2, %add3A_78 : i32
    %dma_start3A_80 = arith.constant 0 : i32
    %dma_start3A_81 = tpu.memref_slice %arg5[%add3A_79, %dma_start3A_80] : memref<819200x32xf32, #tpu.memory_space<hbm>> -> memref<128x32xf32, #tpu.memory_space<hbm>>
    %dma_start3A_82 = arith.constant 0 : i32
    %dma_start3A_83 = tpu.memref_slice %arg5[%add3A_79, %dma_start3A_82] : memref<819200x32xf32, #tpu.memory_space<hbm>> -> memref<128x32xf32, #tpu.memory_space<hbm>>
    tpu.enqueue_dma source(%arg9 : memref<128x32xf32, #tpu.memory_space<vmem>>) target(%dma_start3A_83 : memref<128x32xf32, #tpu.memory_space<hbm>>) target_semaphore(%arg21 : memref<!tpu.dma_semaphore, #tpu.memory_space<semaphore_mem>>)
    %add3A_84 = arith.constant 25216 : i32
    %add3A_85 = arith.addi %mul3A_2, %add3A_84 : i32
    %dma_start3A_86 = arith.constant 0 : i32
    %dma_start3A_87 = tpu.memref_slice %arg6[%add3A_85, %dma_start3A_86] : memref<819200x32xf32, #tpu.memory_space<hbm>> -> memref<128x32xf32, #tpu.memory_space<hbm>>
    %dma_start3A_88 = arith.constant 0 : i32
    %dma_start3A_89 = tpu.memref_slice %arg6[%add3A_85, %dma_start3A_88] : memref<819200x32xf32, #tpu.memory_space<hbm>> -> memref<128x32xf32, #tpu.memory_space<hbm>>
    tpu.enqueue_dma source(%arg13 : memref<128x32xf32, #tpu.memory_space<vmem>>) target(%dma_start3A_89 : memref<128x32xf32, #tpu.memory_space<hbm>>) target_semaphore(%arg21 : memref<!tpu.dma_semaphore, #tpu.memory_space<semaphore_mem>>)
    %dma_wait3A_90 = arith.constant 25344 : i32
    %dma_wait3A_91 = tpu.memref_slice %arg7[%dma_wait3A_90] : memref<25600xi32, #tpu.memory_space<vmem>> -> memref<128xi32, #tpu.memory_space<vmem>>
    %dma_wait3A_92 = arith.constant 0 : i32
    %dma_wait3A_93 = arith.constant 0 : i32
    %dma_wait3A_94 = tpu.memref_slice %arg3[%dma_wait3A_92, %dma_wait3A_93] : memref<1000000x32xf32, #tpu.memory_space<hbm>> -> memref<1000000x32xf32, #tpu.memory_space<hbm>>
    tpu.wait_indirect_dma semaphore(%arg18 : memref<!tpu.dma_semaphore, #tpu.memory_space<semaphore_mem>>) src(%dma_wait3A_94 : memref<1000000x32xf32, #tpu.memory_space<hbm>>) dst(%arg10 : memref<128x32xf32, #tpu.memory_space<vmem>>)
    %dma_wait3A_95 = arith.constant 25344 : i32
    %dma_wait3A_96 = tpu.memref_slice %arg7[%dma_wait3A_95] : memref<25600xi32, #tpu.memory_space<vmem>> -> memref<128xi32, #tpu.memory_space<vmem>>
    %dma_wait3A_97 = arith.constant 0 : i32
    %dma_wait3A_98 = arith.constant 0 : i32
    %dma_wait3A_99 = tpu.memref_slice %arg4[%dma_wait3A_97, %dma_wait3A_98] : memref<1000000x32xf32, #tpu.memory_space<hbm>> -> memref<1000000x32xf32, #tpu.memory_space<hbm>>
    tpu.wait_indirect_dma semaphore(%arg18 : memref<!tpu.dma_semaphore, #tpu.memory_space<semaphore_mem>>) src(%dma_wait3A_99 : memref<1000000x32xf32, #tpu.memory_space<hbm>>) dst(%arg14 : memref<128x32xf32, #tpu.memory_space<vmem>>)
    %add3A_100 = arith.constant 25344 : i32
    %add3A_101 = arith.addi %mul3A_2, %add3A_100 : i32
    %dma_start3A_102 = arith.constant 0 : i32
    %dma_start3A_103 = tpu.memref_slice %arg5[%add3A_101, %dma_start3A_102] : memref<819200x32xf32, #tpu.memory_space<hbm>> -> memref<128x32xf32, #tpu.memory_space<hbm>>
    %dma_start3A_104 = arith.constant 0 : i32
    %dma_start3A_105 = tpu.memref_slice %arg5[%add3A_101, %dma_start3A_104] : memref<819200x32xf32, #tpu.memory_space<hbm>> -> memref<128x32xf32, #tpu.memory_space<hbm>>
    tpu.enqueue_dma source(%arg10 : memref<128x32xf32, #tpu.memory_space<vmem>>) target(%dma_start3A_105 : memref<128x32xf32, #tpu.memory_space<hbm>>) target_semaphore(%arg22 : memref<!tpu.dma_semaphore, #tpu.memory_space<semaphore_mem>>)
    %add3A_106 = arith.constant 25344 : i32
    %add3A_107 = arith.addi %mul3A_2, %add3A_106 : i32
    %dma_start3A_108 = arith.constant 0 : i32
    %dma_start3A_109 = tpu.memref_slice %arg6[%add3A_107, %dma_start3A_108] : memref<819200x32xf32, #tpu.memory_space<hbm>> -> memref<128x32xf32, #tpu.memory_space<hbm>>
    %dma_start3A_110 = arith.constant 0 : i32
    %dma_start3A_111 = tpu.memref_slice %arg6[%add3A_107, %dma_start3A_110] : memref<819200x32xf32, #tpu.memory_space<hbm>> -> memref<128x32xf32, #tpu.memory_space<hbm>>
    tpu.enqueue_dma source(%arg14 : memref<128x32xf32, #tpu.memory_space<vmem>>) target(%dma_start3A_111 : memref<128x32xf32, #tpu.memory_space<hbm>>) target_semaphore(%arg22 : memref<!tpu.dma_semaphore, #tpu.memory_space<semaphore_mem>>)
    %dma_wait3A_112 = arith.constant 25472 : i32
    %dma_wait3A_113 = tpu.memref_slice %arg7[%dma_wait3A_112] : memref<25600xi32, #tpu.memory_space<vmem>> -> memref<128xi32, #tpu.memory_space<vmem>>
    %dma_wait3A_114 = arith.constant 0 : i32
    %dma_wait3A_115 = arith.constant 0 : i32
    %dma_wait3A_116 = tpu.memref_slice %arg3[%dma_wait3A_114, %dma_wait3A_115] : memref<1000000x32xf32, #tpu.memory_space<hbm>> -> memref<1000000x32xf32, #tpu.memory_space<hbm>>
    tpu.wait_indirect_dma semaphore(%arg19 : memref<!tpu.dma_semaphore, #tpu.memory_space<semaphore_mem>>) src(%dma_wait3A_116 : memref<1000000x32xf32, #tpu.memory_space<hbm>>) dst(%arg11 : memref<128x32xf32, #tpu.memory_space<vmem>>)
    %dma_wait3A_117 = arith.constant 25472 : i32
    %dma_wait3A_118 = tpu.memref_slice %arg7[%dma_wait3A_117] : memref<25600xi32, #tpu.memory_space<vmem>> -> memref<128xi32, #tpu.memory_space<vmem>>
    %dma_wait3A_119 = arith.constant 0 : i32
    %dma_wait3A_120 = arith.constant 0 : i32
    %dma_wait3A_121 = tpu.memref_slice %arg4[%dma_wait3A_119, %dma_wait3A_120] : memref<1000000x32xf32, #tpu.memory_space<hbm>> -> memref<1000000x32xf32, #tpu.memory_space<hbm>>
    tpu.wait_indirect_dma semaphore(%arg19 : memref<!tpu.dma_semaphore, #tpu.memory_space<semaphore_mem>>) src(%dma_wait3A_121 : memref<1000000x32xf32, #tpu.memory_space<hbm>>) dst(%arg15 : memref<128x32xf32, #tpu.memory_space<vmem>>)
    %add3A_122 = arith.constant 25472 : i32
    %add3A_123 = arith.addi %mul3A_2, %add3A_122 : i32
    %dma_start3A_124 = arith.constant 0 : i32
    %dma_start3A_125 = tpu.memref_slice %arg5[%add3A_123, %dma_start3A_124] : memref<819200x32xf32, #tpu.memory_space<hbm>> -> memref<128x32xf32, #tpu.memory_space<hbm>>
    %dma_start3A_126 = arith.constant 0 : i32
    %dma_start3A_127 = tpu.memref_slice %arg5[%add3A_123, %dma_start3A_126] : memref<819200x32xf32, #tpu.memory_space<hbm>> -> memref<128x32xf32, #tpu.memory_space<hbm>>
    tpu.enqueue_dma source(%arg11 : memref<128x32xf32, #tpu.memory_space<vmem>>) target(%dma_start3A_127 : memref<128x32xf32, #tpu.memory_space<hbm>>) target_semaphore(%arg23 : memref<!tpu.dma_semaphore, #tpu.memory_space<semaphore_mem>>)
    %add3A_128 = arith.constant 25472 : i32
    %add3A_129 = arith.addi %mul3A_2, %add3A_128 : i32
    %dma_start3A_130 = arith.constant 0 : i32
    %dma_start3A_131 = tpu.memref_slice %arg6[%add3A_129, %dma_start3A_130] : memref<819200x32xf32, #tpu.memory_space<hbm>> -> memref<128x32xf32, #tpu.memory_space<hbm>>
    %dma_start3A_132 = arith.constant 0 : i32
    %dma_start3A_133 = tpu.memref_slice %arg6[%add3A_129, %dma_start3A_132] : memref<819200x32xf32, #tpu.memory_space<hbm>> -> memref<128x32xf32, #tpu.memory_space<hbm>>
    tpu.enqueue_dma source(%arg15 : memref<128x32xf32, #tpu.memory_space<vmem>>) target(%dma_start3A_133 : memref<128x32xf32, #tpu.memory_space<hbm>>) target_semaphore(%arg23 : memref<!tpu.dma_semaphore, #tpu.memory_space<semaphore_mem>>)
    %add3A_134 = arith.constant 25088 : i32
    %add3A_135 = arith.addi %mul3A_2, %add3A_134 : i32
    %dma_wait3A_136 = arith.constant 0 : i32
    %dma_wait3A_137 = tpu.memref_slice %arg5[%add3A_135, %dma_wait3A_136] : memref<819200x32xf32, #tpu.memory_space<hbm>> -> memref<128x32xf32, #tpu.memory_space<hbm>>
    %dma_wait3A_138 = arith.constant 0 : i32
    %dma_wait3A_139 = tpu.memref_slice %arg5[%add3A_135, %dma_wait3A_138] : memref<819200x32xf32, #tpu.memory_space<hbm>> -> memref<128x32xf32, #tpu.memory_space<hbm>>
    tpu.wait_dma2 semaphore(%arg20 : memref<!tpu.dma_semaphore, #tpu.memory_space<semaphore_mem>>) src(%arg8 : memref<128x32xf32, #tpu.memory_space<vmem>>) dst(%dma_wait3A_139 : memref<128x32xf32, #tpu.memory_space<hbm>>)
    %add3A_140 = arith.constant 25088 : i32
    %add3A_141 = arith.addi %mul3A_2, %add3A_140 : i32
    %dma_wait3A_142 = arith.constant 0 : i32
    %dma_wait3A_143 = tpu.memref_slice %arg6[%add3A_141, %dma_wait3A_142] : memref<819200x32xf32, #tpu.memory_space<hbm>> -> memref<128x32xf32, #tpu.memory_space<hbm>>
    %dma_wait3A_144 = arith.constant 0 : i32
    %dma_wait3A_145 = tpu.memref_slice %arg6[%add3A_141, %dma_wait3A_144] : memref<819200x32xf32, #tpu.memory_space<hbm>> -> memref<128x32xf32, #tpu.memory_space<hbm>>
    tpu.wait_dma2 semaphore(%arg20 : memref<!tpu.dma_semaphore, #tpu.memory_space<semaphore_mem>>) src(%arg12 : memref<128x32xf32, #tpu.memory_space<vmem>>) dst(%dma_wait3A_145 : memref<128x32xf32, #tpu.memory_space<hbm>>)
    %add3A_146 = arith.constant 25216 : i32
    %add3A_147 = arith.addi %mul3A_2, %add3A_146 : i32
    %dma_wait3A_148 = arith.constant 0 : i32
    %dma_wait3A_149 = tpu.memref_slice %arg5[%add3A_147, %dma_wait3A_148] : memref<819200x32xf32, #tpu.memory_space<hbm>> -> memref<128x32xf32, #tpu.memory_space<hbm>>
    %dma_wait3A_150 = arith.constant 0 : i32
    %dma_wait3A_151 = tpu.memref_slice %arg5[%add3A_147, %dma_wait3A_150] : memref<819200x32xf32, #tpu.memory_space<hbm>> -> memref<128x32xf32, #tpu.memory_space<hbm>>
    tpu.wait_dma2 semaphore(%arg21 : memref<!tpu.dma_semaphore, #tpu.memory_space<semaphore_mem>>) src(%arg9 : memref<128x32xf32, #tpu.memory_space<vmem>>) dst(%dma_wait3A_151 : memref<128x32xf32, #tpu.memory_space<hbm>>)
    %add3A_152 = arith.constant 25216 : i32
    %add3A_153 = arith.addi %mul3A_2, %add3A_152 : i32
    %dma_wait3A_154 = arith.constant 0 : i32
    %dma_wait3A_155 = tpu.memref_slice %arg6[%add3A_153, %dma_wait3A_154] : memref<819200x32xf32, #tpu.memory_space<hbm>> -> memref<128x32xf32, #tpu.memory_space<hbm>>
    %dma_wait3A_156 = arith.constant 0 : i32
    %dma_wait3A_157 = tpu.memref_slice %arg6[%add3A_153, %dma_wait3A_156] : memref<819200x32xf32, #tpu.memory_space<hbm>> -> memref<128x32xf32, #tpu.memory_space<hbm>>
    tpu.wait_dma2 semaphore(%arg21 : memref<!tpu.dma_semaphore, #tpu.memory_space<semaphore_mem>>) src(%arg13 : memref<128x32xf32, #tpu.memory_space<vmem>>) dst(%dma_wait3A_157 : memref<128x32xf32, #tpu.memory_space<hbm>>)
    %add3A_158 = arith.constant 25344 : i32
    %add3A_159 = arith.addi %mul3A_2, %add3A_158 : i32
    %dma_wait3A_160 = arith.constant 0 : i32
    %dma_wait3A_161 = tpu.memref_slice %arg5[%add3A_159, %dma_wait3A_160] : memref<819200x32xf32, #tpu.memory_space<hbm>> -> memref<128x32xf32, #tpu.memory_space<hbm>>
    %dma_wait3A_162 = arith.constant 0 : i32
    %dma_wait3A_163 = tpu.memref_slice %arg5[%add3A_159, %dma_wait3A_162] : memref<819200x32xf32, #tpu.memory_space<hbm>> -> memref<128x32xf32, #tpu.memory_space<hbm>>
    tpu.wait_dma2 semaphore(%arg22 : memref<!tpu.dma_semaphore, #tpu.memory_space<semaphore_mem>>) src(%arg10 : memref<128x32xf32, #tpu.memory_space<vmem>>) dst(%dma_wait3A_163 : memref<128x32xf32, #tpu.memory_space<hbm>>)
    %add3A_164 = arith.constant 25344 : i32
    %add3A_165 = arith.addi %mul3A_2, %add3A_164 : i32
    %dma_wait3A_166 = arith.constant 0 : i32
    %dma_wait3A_167 = tpu.memref_slice %arg6[%add3A_165, %dma_wait3A_166] : memref<819200x32xf32, #tpu.memory_space<hbm>> -> memref<128x32xf32, #tpu.memory_space<hbm>>
    %dma_wait3A_168 = arith.constant 0 : i32
    %dma_wait3A_169 = tpu.memref_slice %arg6[%add3A_165, %dma_wait3A_168] : memref<819200x32xf32, #tpu.memory_space<hbm>> -> memref<128x32xf32, #tpu.memory_space<hbm>>
    tpu.wait_dma2 semaphore(%arg22 : memref<!tpu.dma_semaphore, #tpu.memory_space<semaphore_mem>>) src(%arg14 : memref<128x32xf32, #tpu.memory_space<vmem>>) dst(%dma_wait3A_169 : memref<128x32xf32, #tpu.memory_space<hbm>>)
    %add3A_170 = arith.constant 25472 : i32
    %add3A_171 = arith.addi %mul3A_2, %add3A_170 : i32
    %dma_wait3A_172 = arith.constant 0 : i32
    %dma_wait3A_173 = tpu.memref_slice %arg5[%add3A_171, %dma_wait3A_172] : memref<819200x32xf32, #tpu.memory_space<hbm>> -> memref<128x32xf32, #tpu.memory_space<hbm>>
    %dma_wait3A_174 = arith.constant 0 : i32
    %dma_wait3A_175 = tpu.memref_slice %arg5[%add3A_171, %dma_wait3A_174] : memref<819200x32xf32, #tpu.memory_space<hbm>> -> memref<128x32xf32, #tpu.memory_space<hbm>>
    tpu.wait_dma2 semaphore(%arg23 : memref<!tpu.dma_semaphore, #tpu.memory_space<semaphore_mem>>) src(%arg11 : memref<128x32xf32, #tpu.memory_space<vmem>>) dst(%dma_wait3A_175 : memref<128x32xf32, #tpu.memory_space<hbm>>)
    %add3A_176 = arith.constant 25472 : i32
    %add3A_177 = arith.addi %mul3A_2, %add3A_176 : i32
    %dma_wait3A_178 = arith.constant 0 : i32
    %dma_wait3A_179 = tpu.memref_slice %arg6[%add3A_177, %dma_wait3A_178] : memref<819200x32xf32, #tpu.memory_space<hbm>> -> memref<128x32xf32, #tpu.memory_space<hbm>>
    %dma_wait3A_180 = arith.constant 0 : i32
    %dma_wait3A_181 = tpu.memref_slice %arg6[%add3A_177, %dma_wait3A_180] : memref<819200x32xf32, #tpu.memory_space<hbm>> -> memref<128x32xf32, #tpu.memory_space<hbm>>
    tpu.wait_dma2 semaphore(%arg23 : memref<!tpu.dma_semaphore, #tpu.memory_space<semaphore_mem>>) src(%arg15 : memref<128x32xf32, #tpu.memory_space<vmem>>) dst(%dma_wait3A_181 : memref<128x32xf32, #tpu.memory_space<hbm>>)
    return
  }
}

</mosaic_0001>

<sc_bundles>
// kernel: kernel.3.cloned.1.call-start
scs
__scs_entry_jumppad:
0x0: {  	(pc) =	sbr.rel $0x88, $3  }
0x1: {  	(tag) =	ssettag $0x0;
	lr =	simm.s32 $0x1  }
0x2: {  	[smem:$0x3F9E] =	sst lr;
	_ =	strace $0xD0000000  }
0x3: {  	_ = 	snop  }
0x4: {  	_ = 	snop  }
0x5: {  	_ = 	snop  }
0x6: {  	_ = 	snop  }
0x7: {  	_ = 	snop  }
__scs_overlays_trampoline_lowered:
0x8: {  	[smem:$0x3FAD] =	sst s0  }
0x9: {  	[smem:$0x3FAE] =	sst s1  }
0xa: {  	[smem:$0x3FAF] =	sst s2  }
0xb: {  	[smem:$0x3FB0] =	sst s3  }
0xc: {  	[smem:$0x3FB1] =	sst s4  }
0xd: {  	[smem:$0x3FB2] =	sst s5  }
0xe: {  	[smem:$0x3FB3] =	sst s6  }
0xf: {  	[smem:$0x3FB4] =	sst s7  }
0x10: {  	[smem:$0x3FB5] =	sst s8  }
0x11: {  	[smem:$0x3FB6] =	sst s9;
	s0 =	simm.s32 @!p0 $0x0  }
0x12: {  	s1 =	sld [smem:$0x3F9C];
	s0 =	simm.s32 @p0 $0x1  }
0x13: {  	[smem:$0x3FB7] =	sst s0;
	s0 =	simm.s32 @!p1 $0x0  }
0x14: {  	s2 =	sld [smem:$0x3F9B];
	s0 =	simm.s32 @p1 $0x1  }
0x15: {  	[smem:$0x3FB8] =	sst s0;
	s0 =	simm.s32 @!p2 $0x0  }
0x16: {  	s3 =	sld [smem:$0x3FDB];
	s0 =	simm.s32 @p2 $0x1  }
0x17: {  	s4 =	simm.s32 $0x1BF5;
	[smem:$0x3FBA] =	sst s0  }
0x18: {  	s0 =	sld [smem:$0x3F9D];
	_ =	swait.ge [sflag:s4], $0x0  }
0x19: {  	s7 =	sld [smem:$0x3F9E]  }
0x1a: {  	s8 =	sadd.s32 $0xFFFFE003, lr  }
0x1b: {  	s9 =	sadd.s32 $0xFFFFFEF7, lr;
	s5 =	simm.s32 $0xFFFFFFFF;
	p2 =	slt.u32 s8, $0xFFFFF086  }
0x1c: {  	p1 =	slt.u32 s9, $0xF7A;
	s5 =	simm.s32 @!p2 $0x0  }
0x1d: {  	s5 =	simm.s32 @p1 $0x1;
	p0 =	seq.s32 s7, s2  }
0x1e: {  	s7 =	smul.u32 @!p0 $0xF7A, s2;
	p2 =	seq.s32 @!p0 s5, $0x0  }
0x1f: {  	s9 =	smul.u32 $0xF7A, s1;
	s8 =	simm.s32 @!p0 $0x1BF5;
	p2 =	por !p2, p0  }
0x20: {  	[sflag:s8] =	ssyncset.s32 @!p0 $0xFFFFF086;
	s6 =	sadd.s32 @!p0 s3, s7;
	s7 =	simm.s32 @!p0 $0x108  }
0x21: {  	s3 =	sadd.s32 s3, s9;
	s6 =	sadd.s32 @!p0 $0x88, s6;
	s7 =	simm.s32 @p2 $0x1082  }
0x22: {  	[simem:s7], [sflag:s8] =	dma.local @!p0 [hbm:s6], $0xF7A  }
0x23: {  	s9 =	sor.u32 $0xD0000000, s2;
	s6 =	simm.s32 $0x108;
	_ =	swait.ge @!p0 [sflag:s8], $0x0  }
0x24: {  	s3 =	sadd.s32 $0x88, s3;
	s6 =	simm.s32 @!p1 $0x1082;
	[sflag:s4] =	ssyncset.s32 $0xFFFFF086  }
0x25: {  	[simem:s6], [sflag:s4] =	dma.local [hbm:s3], $0xF7A  }
0x26: {  	[smem:$0x3F9E] =	sst s1;
	(tag) =	ssettag s2;
	_ =	strace s9  }
0x27: {  	s1 =	sld [smem:$0x3FAE]  }
0x28: {  	s2 =	sld [smem:$0x3FAF]  }
0x29: {  	s4 =	sld [smem:$0x3FB1]  }
0x2a: {  	p0 =	seq.s32 s5, $0x0;
	s5 =	sld [smem:$0x3FB2]  }
0x2b: {  	s6 =	sld [smem:$0x3FB3]  }
0x2c: {  	s7 =	sld [smem:$0x3FB4]  }
0x2d: {  	s3 =	simm.s32 $0x108;
	s8 =	sld [smem:$0x3FB5]  }
0x2e: {  	s3 =	simm.s32 @!p0 $0x1082;
	s9 =	sld [smem:$0x3FB6]  }
0x2f: {  	lr =	sadd.s32 s0, s3;
	s0 =	sld [smem:$0x3FAD]  }
0x30: {  	s3 =	sld [smem:$0x3FB0]  }
0x31: {  	[smem:$0x3FB9] =	sst s10  }
0x32: {  	s10 =	sld [smem:$0x3FB7];
	_ =	sdelay $0x3  }
0x33: {  	p0 =	seq.s32 s10, $0x1;
	s10 =	sld [smem:$0x3FB9];
	_ =	sdelay $0x3  }
0x34: {  	[smem:$0x3FB9] =	sst s10  }
0x35: {  	s10 =	sld [smem:$0x3FB8];
	_ =	sdelay $0x3  }
0x36: {  	p1 =	seq.s32 s10, $0x1;
	s10 =	sld [smem:$0x3FB9];
	_ =	sdelay $0x3  }
0x37: {  	[smem:$0x3FB9] =	sst s10  }
0x38: {  	s10 =	sld [smem:$0x3FBA]  }
0x39: {  	_ = 	snop;
	(pc) =	sbr.ind lr, $3  }
0x3a: {  	_ = 	snop  }
0x3b: {  	_ = 	snop  }
0x3c: {  	p2 =	seq.s32 s10, $0x1;
	s10 =	sld [smem:$0x3FB9]  }
0x3d: {  	_ =	shalt  }
0x3e: {  	_ =	shalt  }
0x3f: {  	_ =	shalt  }
0x40: {  	_ =	shalt  }
0x41: {  	_ =	shalt  }
0x42: {  	_ =	shalt  }
0x43: {  	_ =	shalt  }
0x44: {  	_ =	shalt  }
0x45: {  	_ =	shalt  }
0x46: {  	_ =	shalt  }
0x47: {  	_ =	shalt  }
0x48: {  	_ =	shalt  }
0x49: {  	_ =	shalt  }
0x4a: {  	_ =	shalt  }
0x4b: {  	_ =	shalt  }
0x4c: {  	_ =	shalt  }
0x4d: {  	_ =	shalt  }
0x4e: {  	_ =	shalt  }
0x4f: {  	_ =	shalt  }
0x50: {  	_ =	shalt  }
0x51: {  	_ =	shalt  }
0x52: {  	_ =	shalt  }
0x53: {  	_ =	shalt  }
0x54: {  	_ =	shalt  }
0x55: {  	_ =	shalt  }
0x56: {  	_ =	shalt  }
0x57: {  	_ =	shalt  }
0x58: {  	_ =	shalt  }
0x59: {  	_ =	shalt  }
0x5a: {  	_ =	shalt  }
0x5b: {  	_ =	shalt  }
0x5c: {  	_ =	shalt  }
0x5d: {  	_ =	shalt  }
0x5e: {  	_ =	shalt  }
0x5f: {  	_ =	shalt  }
0x60: {  	_ =	shalt  }
0x61: {  	_ =	shalt  }
0x62: {  	_ =	shalt  }
0x63: {  	_ =	shalt  }
0x64: {  	_ =	shalt  }
0x65: {  	_ =	shalt  }
0x66: {  	_ =	shalt  }
0x67: {  	_ =	shalt  }
0x68: {  	_ =	shalt  }
0x69: {  	_ =	shalt  }
0x6a: {  	_ =	shalt  }
0x6b: {  	_ =	shalt  }
0x6c: {  	_ =	shalt  }
0x6d: {  	_ =	shalt  }
0x6e: {  	_ =	shalt  }
0x6f: {  	_ =	shalt  }
0x70: {  	_ =	shalt  }
0x71: {  	_ =	shalt  }
0x72: {  	_ =	shalt  }
0x73: {  	_ =	shalt  }
0x74: {  	_ =	shalt  }
0x75: {  	_ =	shalt  }
0x76: {  	_ =	shalt  }
0x77: {  	_ =	shalt  }
0x78: {  	_ =	shalt  }
0x79: {  	_ =	shalt  }
0x7a: {  	_ =	shalt  }
0x7b: {  	_ =	shalt  }
0x7c: {  	_ =	shalt  }
0x7d: {  	_ =	shalt  }
0x7e: {  	_ =	shalt  }
0x7f: {  	_ =	shalt  }
0x80: {  	_ =	shalt  }
0x81: {  	_ =	shalt  }
0x82: {  	_ =	shalt  }
0x83: {  	_ =	shalt  }
0x84: {  	_ =	shalt  }
0x85: {  	_ =	shalt  }
0x86: {  	_ =	shalt  }
0x87: {  	_ =	shalt  }
.Lfunc_end0:
.L_simem_size_0:
called_computation_lowered:
.L_overlay_start_0:
0x88: {  	s2 =	sld [smem:$0x3FD9]  }
0x89: {  	s3 =	sld [smem:$0x3FFE];
	_ =	sdelay $0x1  }
0x8a: {  	s1 =	srdreg.scid  }
0x8b: {  	s0 =	sand.u32 $0x1, s1  }
0x8c: {  	s17 =	sshll.u32 s0, $0xA;
	s2 =	sadd.s32 s3, s2  }
0x8d: {  	s2 =	sadd.s32 s2, s17  }
0x8e: {  	[smem:$0x3FC5] =	sst s2  }
0x8f: {  	_ = 	snop  }
0x90: {  	s2 =	sld [smem:$0x3FD0];
	(tm) =	ssettm $0x1  }
0x91: {  	s18 =	sld [smem:$0x3FFB];
	_ =	sdelay $0x3  }
0x92: {  	_ =	strace s18  }
0x93: {  	s3 =	sld [smem:$0x3FFC];
	_ =	sdelay $0x3  }
0x94: {  	_ =	strace s3  }
0x95: {  	s3 =	sld [smem:$0x3FFD];
	_ =	sdelay $0x3  }
0x96: {  	_ =	strace s3  }
0x97: {  	_ =	strace $0x8FFFFFFF  }
0x98: {  	s19 =	sld [smem:$0x3FDB];
	_ =	sdelay $0x1  }
0x99: {  	s4 =	simm.s32 $_scs_section_size  }
0x9a: {  	s5 =	simm.s32 $_size__tile_overlayer_lowered;
	s6 =	simm.s32 $_tile_overlayer_lowered  }
0x9b: {  	s22 =	simm.s32 $0x1BFF;
	s21 =	sshll.u32 s6, $0x1;
	s3 =	sadd.s32 s4, s19  }
0x9c: {  	s7 =	simm.s32 $0x0;
	s20 =	sshll.u32 s5, $0x1;
	s5 =	sadd.s32 s21, s3  }
0x9d: {  	[timem:s7], [sflag:s22] =	dma.local [hbm:s5], s20  }
0x9e: {  	_ =	swait.ge [sflag:s22], s20  }
0x9f: {  	s4 =	ssub.s32 $0x0, s20;
	[sflag:s22] =	ssyncset.done $0x0  }
0xa0: {  	[sflag:s22] =	ssyncadd.s32 s4;
	_ =	sdelay $0x1  }
0xa1: {  	s23 =	simm.s32 $0x1B8B  }
0xa2: {  	_ =	swait.ge [sflag:s23], $0x1  }
0xa3: {  	[sflag:s23] =	ssyncset.done $0x0  }
0xa4: {  	s25 =	simm.s32 $0x1B8E;
	s24 =	sld [smem:$0x3FFE];
	[sflag:s23] =	ssyncadd.s32 $0xFFFFFFFF  }
0xa5: {  	s26 =	simm.s32 $execute0_lowered;
	[smem:$0x3FD2] =	sst s25  }
0xa6: {  	s5 =	sshll.u32 s26, $0x1;
	_ =	strace $0x80000046;
	[dreg:$0x1] =	wrdreg $0xFFFFFFFF  }
0xa7: {  	s28 =	simm.s32 $_size_execute0_lowered;
	s3 =	sadd.s32 s3, s5;
	[dreg:$0x0] =	wrdreg $0x0  }
0xa8: {  	s5 =	sshll.u32 s28, $0x1;
	[dreg:$0x2] =	wrdreg s3  }
0xa9: {  	[dreg:$0x3] =	wrdreg s5  }
0xaa: {  	[dreg:$0x4] =	wrdreg $0xC0  }
0xab: {  	_ =	task [dreg:s7], $0x5FFFF  }
0xac: {  	[dreg:$0x1] =	wrdreg $0xFFFFFFFF  }
0xad: {  	[dreg:$0x0] =	wrdreg $0x60  }
0xae: {  	[dreg:$0x2] =	wrdreg s24  }
0xaf: {  	[dreg:$0x3] =	wrdreg s2  }
0xb0: {  	[dreg:$0x4] =	wrdreg $0x9  }
0xb1: {  	_ =	task.clear_ibuf [dreg:s7], $0x5FFFF;
	_ =	strace $0x90000046  }
0xb2: {  	s29 =	simm.s32 $0x9;
	_ =	strace $0x80000048  }
0xb3: {  	_ =	swait.ge [sflag:s29], $0x1  }
0xb4: {  	[sflag:s29] =	ssyncadd.s32 $0xFFFFFFFF  }
0xb5: {  	_ =	strace $0x90000048  }
0xb6: {  	_ =	sfence  }
0xb7: {  	s30 =	sld [smem:$0x0];
	_ =	sdelay $0x2  }
0xb8: {  	s31 =	sshll.u32 s1, $0xD;
	s1 =	sshrl.u32 s1, $0x2  }
0xb9: {  	s3 =	sand.u32 $0x4000, s31;
	s1 =	sadd.s32 s1, s30  }
0xba: {  	s0 =	sor.u32 s3, s0;
	s1 =	sshll.u32 s1, $0x11  }
0xbb: {  	s0 =	sor.u32 s1, s0  }
0xbc: {  	s0 =	sadd.s32 $0x8F2B, s0  }
0xbd: {  	[sflag:s0] =	ssyncadd.remote.s32 $0x1  }
0xbe: {  	_ =	sfence.sel $0xFFFF  }
0xbf: {  	[dreg:$0x0] =	wrdreg $0xFFFFFFFF;
	(pc) =	sbr.abs _section_cstart, $3  }
0xc0: {  	[dreg:$0x1] =	wrdreg $0xFFFFFFFF  }
0xc1: {  	_ =	task.clear_ibuf [dreg:s7], $0x2FFFF;
	_ =	strace $0x9FFFFFFF  }
0xc2: {  	(tm) =	ssettm $0x7FFFFFFF  }
0xc3: {  	_ =	shalt  }
tec
execute0_lowered:
.L_overlay_start_1:
0x0: {  	(tag) =	ssettag $0x1  }
0x1: {  	s0 =	srdreg.scid  }
0x2: {  	s11 =	stileid.u32;
	s5 =	rddreg [dreg:$0x0]  }
0x3: {  	s2 =	rddreg [dreg:$0x1];
	s3 =	simm.s32 $0x0;
	s28 =	simm.s32 $0x1  }
0x4: {  	s29 =	simm.s32 $0x2;
	s30 =	simm.s32 $0x3;
	s10 =	smul.u32 $0x190000, s11  }
0x5: {  	s0 =	sand.u32 $0x1, s0;
	s1 =	sshll.u32 s11, $0x1;
	s11 =	smul.u32 $0xC800, s11  }
0x6: {  	s31 =	simm.s32 $0x4;
	[smem:$0x7FF] =	sst s3;
	s25 =	smul.u32 $0xC8000, s0  }
0x7: {  	s1 =	sor.u32 s0, s1;
	s8 =	ssub.s32 $0x2, s0;
	s0 =	smul.u32 $0x6400, s0  }
0x8: {  	s7 =	sadd.s32 $0x19A00, s5;
	s4 =	smul.u32 $0x6400, s1;
	s9 =	sshrl.u32 s8, $0x1  }
0x9: {  	_ =	strace $0x80000047;
	s1 =	smul.u32 $0xC8000, s1;
	s8 =	ssub.s32 s8, s9  }
0xa: {  	s15 =	sadd.s32 s25, s10;
	s0 =	sadd.s32 s0, s11;
	s4 =	sshrl.u32 s4, $0x3  }
0xb: {  	s1 =	sshrl.u32 s1, $0x3;
	s6 =	sadd.s32 s4, s5;
	s4 =	sadd.s32 $0xF42E00, s5  }
0xc: {  	s0 =	sshll.u32 s0, $0x2;
	s5 =	sadd.s32 $0x339A00, s5;
	s26 =	sadd.s32 $0x18800, s1  }
0xd: {  	s13 =	sadd.s32 $0x18A00, s1;
	s17 =	sadd.s32 $0x18C00, s1;
	s6 =	sadd.s32 $0xA00, s6  }
0xe: {  	s19 =	sor.u32 $0x600, s0;
	s12 =	sadd.s32 s7, s26;
	[dreg:$0xb] =	wrdreg s6  }
0xf: {  	s23 =	sor.u32 $0x400, s0;
	s14 =	sadd.s32 s7, s13;
	[dreg:$0xc] =	wrdreg s12  }
0x10: {  	s0 =	sor.u32 $0x200, s0;
	s16 =	sadd.s32 s5, s13;
	[dreg:$0xe] =	wrdreg s14  }
0x11: {  	s1 =	sadd.s32 $0x18E00, s1;
	s20 =	sadd.s32 s7, s17;
	[dreg:$0xf] =	wrdreg s16  }
0x12: {  	s21 =	sadd.s32 s19, s7;
	s22 =	sadd.s32 s19, s5;
	[dreg:$0x10] =	wrdreg s20  }
0x13: {  	s9 =	sadd.s32 s5, s17;
	s24 =	sadd.s32 s23, s7;
	[dreg:$0x5] =	wrdreg s21  }
0x14: {  	s25 =	sadd.s32 s23, s5;
	s13 =	sadd.s32 s5, s1;
	[dreg:$0x11] =	wrdreg s9  }
0x15: {  	s17 =	simm.s32 $0x6400;
	s19 =	simm.s32 $0x7400;
	[dreg:$0x6] =	wrdreg s22  }
0x16: {  	s23 =	simm.s32 $0xC400;
	s6 =	sadd.s32 s5, s26;
	[dreg:$0x7] =	wrdreg s24  }
0x17: {  	[dreg:$0x8] =	wrdreg s25;
	s26 =	sadd.s32 s0, s7;
	s12 =	sadd.s32 s7, s1  }
0x18: {  	s0 =	sadd.s32 s0, s5;
	s14 =	smax.u32 s8, $0x1;
	s16 =	simm.s32 $0x80  }
0x19: {  	s20 =	simm.s32 $0xB400;
	s21 =	simm.s32 $0x100;
	s22 =	simm.s32 $0x8400  }
0x1a: {  	s24 =	simm.s32 $0x180;
	s25 =	simm.s32 $0x9400;
	[dreg:$0xd] =	wrdreg s6  }
0x1b: {  	s1 =	simm.s32 $0x5;
	s6 =	sshrl.u32 s15, $0x3;
	[dreg:$0x9] =	wrdreg s26  }
0x1c: {  	[dreg:$0xa] =	wrdreg s0;
	s15 =	simm.s32 $0x9;
	s26 =	simm.s32 $0xD400  }
0x1d: {  	s0 =	simm.s32 $0x6;
	s18 =	sadd.s32 s6, s5;
	s6 =	sadd.s32 s6, s7  }
0x1e: {  	s5 =	simm.s32 $0x7;
	s7 =	simm.s32 $0x0;
	[dreg:$0x3] =	wrdreg s18  }
0x1f: {  	[dreg:$0x4] =	wrdreg s6;
	s18 =	simm.s32 $0xA400;
	s6 =	simm.s32 $0x8  }
.LBB2_1:
0x20: {  	s8 =	rddreg [dreg:$0xb]  }
0x21: {  	[tilespmem:s3], [sflag:$0x9] =	stream.linear.gather [hbm4b:s8+s3], $0x6400, $0x38;
	[tilespmem:$0xE400] =	vst v63  }
0x22: {  	_ =	swait.ge [sflag:s15], $0x6400  }
0x23: {  	[sflag:s15] =	ssyncset.done $0x0  }
0x24: {  	[sflag:s15] =	ssyncadd.s32 $0xFFFF9C00  }
0x25: {  	[tilespmem:s17], [sflag:$0x1] =	stream.indirect.gather [hbm4b:s2+s16], $0x20, s3, s16, $0xb8;
	[tilespmem:$0xE400] =	vst v63  }
0x26: {  	_ = 	snop  }
0x27: {  	[tilespmem:s18], [sflag:$0x1] =	stream.indirect.gather [hbm4b:s4+s16], $0x20, s3, s16, $0xb8;
	[tilespmem:$0xE400] =	vst v63  }
0x28: {  	_ = 	snop  }
0x29: {  	[tilespmem:s19], [sflag:$0x2] =	stream.indirect.gather [hbm4b:s2+s16], $0x20, s16, s16, $0xb8;
	[tilespmem:$0xE400] =	vst v63  }
0x2a: {  	_ = 	snop  }
0x2b: {  	[tilespmem:s20], [sflag:$0x2] =	stream.indirect.gather [hbm4b:s4+s16], $0x20, s16, s16, $0xb8;
	[tilespmem:$0xE400] =	vst v63  }
0x2c: {  	_ = 	snop  }
0x2d: {  	[tilespmem:s22], [sflag:$0x3] =	stream.indirect.gather [hbm4b:s2+s16], $0x20, s21, s16, $0xb8;
	[tilespmem:$0xE400] =	vst v63  }
0x2e: {  	_ = 	snop  }
0x2f: {  	[tilespmem:s23], [sflag:$0x3] =	stream.indirect.gather [hbm4b:s4+s16], $0x20, s21, s16, $0xb8;
	[tilespmem:$0xE400] =	vst v63  }
0x30: {  	_ = 	snop  }
0x31: {  	[tilespmem:s25], [sflag:$0x4] =	stream.indirect.gather [hbm4b:s2+s16], $0x20, s24, s16, $0xb8;
	[tilespmem:$0xE400] =	vst v63  }
0x32: {  	_ = 	snop  }
0x33: {  	[tilespmem:s26], [sflag:$0x4] =	stream.indirect.gather [hbm4b:s4+s16], $0x20, s24, s16, $0xb8;
	[tilespmem:$0xE400] =	vst v63  }
0x34: {  	_ =	swait.ge [sflag:s28], $0x1000  }
0x35: {  	[sflag:s28] =	ssyncset.done $0x0  }
0x36: {  	[sflag:s28] =	ssyncadd.s32 $0xFFFFF000  }
0x37: {  	_ =	swait.ge [sflag:s28], $0x1000  }
0x38: {  	s10 =	rddreg [dreg:$0x4];
	[sflag:s28] =	ssyncset.done $0x0  }
0x39: {  	s9 =	rddreg [dreg:$0x3];
	[sflag:s28] =	ssyncadd.s32 $0xFFFFF000;
	s8 =	sadd.s32 $0x0, s10  }
0x3a: {  	[hbm4b:s8+s3] =	stream.linear.scatter [tilespmem:s17], [sflag:$0x5], $0x1000, $0x38;
	[tilespmem:$0xE400] =	vst v63  }
0x3b: {  	s11 =	sadd.s32 $0x0, s9  }
0x3c: {  	[hbm4b:s11+s3] =	stream.linear.scatter [tilespmem:s18], [sflag:$0x5], $0x1000, $0x38;
	[tilespmem:$0xE400] =	vst v63  }
0x3d: {  	_ =	swait.ge [sflag:s29], $0x1000  }
0x3e: {  	[sflag:s29] =	ssyncset.done $0x0  }
0x3f: {  	[sflag:s29] =	ssyncadd.s32 $0xFFFFF000  }
0x40: {  	_ =	swait.ge [sflag:s29], $0x1000  }
0x41: {  	s9 =	rddreg [dreg:$0x9];
	[sflag:s29] =	ssyncset.done $0x0  }
0x42: {  	s10 =	rddreg [dreg:$0xa];
	[sflag:s29] =	ssyncadd.s32 $0xFFFFF000;
	s8 =	sadd.s32 $0x0, s9  }
0x43: {  	[hbm4b:s8+s3] =	stream.linear.scatter [tilespmem:s19], [sflag:$0x6], $0x1000, $0x38;
	[tilespmem:$0xE400] =	vst v63  }
0x44: {  	s11 =	sadd.s32 $0x0, s10  }
0x45: {  	[hbm4b:s11+s3] =	stream.linear.scatter [tilespmem:s20], [sflag:$0x6], $0x1000, $0x38;
	[tilespmem:$0xE400] =	vst v63  }
0x46: {  	_ =	swait.ge [sflag:s30], $0x1000  }
0x47: {  	[sflag:s30] =	ssyncset.done $0x0  }
0x48: {  	[sflag:s30] =	ssyncadd.s32 $0xFFFFF000  }
0x49: {  	_ =	swait.ge [sflag:s30], $0x1000  }
0x4a: {  	s9 =	rddreg [dreg:$0x7];
	[sflag:s30] =	ssyncset.done $0x0  }
0x4b: {  	s10 =	rddreg [dreg:$0x8];
	[sflag:s30] =	ssyncadd.s32 $0xFFFFF000;
	s8 =	sadd.s32 $0x0, s9  }
0x4c: {  	[hbm4b:s8+s3] =	stream.linear.scatter [tilespmem:s22], [sflag:$0x7], $0x1000, $0x38;
	[tilespmem:$0xE400] =	vst v63  }
0x4d: {  	s11 =	sadd.s32 $0x0, s10  }
0x4e: {  	[hbm4b:s11+s3] =	stream.linear.scatter [tilespmem:s23], [sflag:$0x7], $0x1000, $0x38;
	[tilespmem:$0xE400] =	vst v63  }
0x4f: {  	_ =	swait.ge [sflag:s31], $0x1000  }
0x50: {  	[sflag:s31] =	ssyncset.done $0x0  }
0x51: {  	[sflag:s31] =	ssyncadd.s32 $0xFFFFF000  }
0x52: {  	_ =	swait.ge [sflag:s31], $0x1000  }
0x53: {  	s9 =	rddreg [dreg:$0x5];
	[sflag:s31] =	ssyncset.done $0x0  }
0x54: {  	s10 =	rddreg [dreg:$0x6];
	[sflag:s31] =	ssyncadd.s32 $0xFFFFF000;
	s8 =	sadd.s32 $0x0, s9  }
0x55: {  	[hbm4b:s8+s3] =	stream.linear.scatter [tilespmem:s25], [sflag:$0x8], $0x1000, $0x38;
	[tilespmem:$0xE400] =	vst v63  }
0x56: {  	s11 =	sadd.s32 $0x0, s10  }
0x57: {  	[hbm4b:s11+s3] =	stream.linear.scatter [tilespmem:s26], [sflag:$0x8], $0x1000, $0x38;
	[tilespmem:$0xE400] =	vst v63  }
0x58: {  	_ =	swait.ge [sflag:s1], $0x1000  }
0x59: {  	[sflag:s1] =	ssyncset.done $0x0  }
0x5a: {  	[sflag:s1] =	ssyncadd.s32 $0xFFFFF000  }
0x5b: {  	_ =	swait.ge [sflag:s1], $0x1000  }
0x5c: {  	[sflag:s1] =	ssyncset.done $0x0  }
0x5d: {  	s9 =	simm.s32 $0x200;
	[sflag:s1] =	ssyncadd.s32 $0xFFFFF000  }
0x5e: {  	[tilespmem:s17], [sflag:$0x1] =	stream.indirect.gather [hbm4b:s2+s16], $0x20, s9, s16, $0xb8;
	[tilespmem:$0xE400] =	vst v63  }
0x5f: {  	_ = 	snop  }
0x60: {  	[tilespmem:s18], [sflag:$0x1] =	stream.indirect.gather [hbm4b:s4+s16], $0x20, s9, s16, $0xb8;
	[tilespmem:$0xE400] =	vst v63  }
0x61: {  	_ =	swait.ge [sflag:s0], $0x1000  }
0x62: {  	[sflag:s0] =	ssyncset.done $0x0  }
0x63: {  	[sflag:s0] =	ssyncadd.s32 $0xFFFFF000  }
0x64: {  	_ =	swait.ge [sflag:s0], $0x1000  }
0x65: {  	[sflag:s0] =	ssyncset.done $0x0  }
0x66: {  	s10 =	simm.s32 $0x280;
	[sflag:s0] =	ssyncadd.s32 $0xFFFFF000  }
0x67: {  	[tilespmem:s19], [sflag:$0x2] =	stream.indirect.gather [hbm4b:s2+s16], $0x20, s10, s16, $0xb8;
	[tilespmem:$0xE400] =	vst v63  }
0x68: {  	_ = 	snop  }
0x69: {  	[tilespmem:s20], [sflag:$0x2] =	stream.indirect.gather [hbm4b:s4+s16], $0x20, s10, s16, $0xb8;
	[tilespmem:$0xE400] =	vst v63  }
0x6a: {  	_ =	swait.ge [sflag:s5], $0x1000  }
0x6b: {  	[sflag:s5] =	ssyncset.done $0x0  }
0x6c: {  	[sflag:s5] =	ssyncadd.s32 $0xFFFFF000  }
0x6d: {  	_ =	swait.ge [sflag:s5], $0x1000  }
0x6e: {  	[sflag:s5] =	ssyncset.done $0x0  }
0x6f: {  	s11 =	simm.s32 $0x300;
	[sflag:s5] =	ssyncadd.s32 $0xFFFFF000  }
0x70: {  	[tilespmem:s22], [sflag:$0x3] =	stream.indirect.gather [hbm4b:s2+s16], $0x20, s11, s16, $0xb8;
	[tilespmem:$0xE400] =	vst v63  }
0x71: {  	_ = 	snop  }
0x72: {  	[tilespmem:s23], [sflag:$0x3] =	stream.indirect.gather [hbm4b:s4+s16], $0x20, s11, s16, $0xb8;
	[tilespmem:$0xE400] =	vst v63  }
0x73: {  	_ =	swait.ge [sflag:s6], $0x1000  }
0x74: {  	[sflag:s6] =	ssyncset.done $0x0  }
0x75: {  	[sflag:s6] =	ssyncadd.s32 $0xFFFFF000  }
0x76: {  	_ =	swait.ge [sflag:s6], $0x1000  }
0x77: {  	[sflag:s6] =	ssyncset.done $0x0  }
0x78: {  	s8 =	simm.s32 $0x800;
	s9 =	simm.s32 $0x380;
	[sflag:s6] =	ssyncadd.s32 $0xFFFFF000  }
0x79: {  	[tilespmem:s25], [sflag:$0x4] =	stream.indirect.gather [hbm4b:s2+s16], $0x20, s9, s16, $0xb8;
	[tilespmem:$0xE400] =	vst v63  }
.LBB2_2:
0x7a: {  	[tilespmem:s26], [sflag:$0x4] =	stream.indirect.gather [hbm4b:s4+s16], $0x20, s9, s16, $0xb8;
	[tilespmem:$0xE400] =	vst v63  }
0x7b: {  	_ =	swait.ge [sflag:s28], $0x1000  }
0x7c: {  	[sflag:s28] =	ssyncset.done $0x0  }
0x7d: {  	[sflag:s28] =	ssyncadd.s32 $0xFFFFF000  }
0x7e: {  	_ =	swait.ge [sflag:s28], $0x1000  }
0x7f: {  	s9 =	smov.u32 s8;
	s10 =	rddreg [dreg:$0x4];
	[sflag:s28] =	ssyncset.done $0x0  }
0x80: {  	s11 =	rddreg [dreg:$0x3];
	[sflag:s28] =	ssyncadd.s32 $0xFFFFF000;
	s10 =	sadd.s32 s9, s10  }
0x81: {  	[hbm4b:s10+s3] =	stream.linear.scatter [tilespmem:s17], [sflag:$0x5], $0x1000, $0x38;
	[tilespmem:$0xE400] =	vst v63  }
0x82: {  	s11 =	sadd.s32 s9, s11  }
0x83: {  	[hbm4b:s11+s3] =	stream.linear.scatter [tilespmem:s18], [sflag:$0x5], $0x1000, $0x38;
	[tilespmem:$0xE400] =	vst v63  }
0x84: {  	_ =	swait.ge [sflag:s29], $0x1000  }
0x85: {  	[sflag:s29] =	ssyncset.done $0x0  }
0x86: {  	[sflag:s29] =	ssyncadd.s32 $0xFFFFF000  }
0x87: {  	_ =	swait.ge [sflag:s29], $0x1000  }
0x88: {  	s10 =	rddreg [dreg:$0x9];
	[sflag:s29] =	ssyncset.done $0x0  }
0x89: {  	s11 =	rddreg [dreg:$0xa];
	[sflag:s29] =	ssyncadd.s32 $0xFFFFF000;
	s10 =	sadd.s32 s9, s10  }
0x8a: {  	[hbm4b:s10+s3] =	stream.linear.scatter [tilespmem:s19], [sflag:$0x6], $0x1000, $0x38;
	[tilespmem:$0xE400] =	vst v63  }
0x8b: {  	s11 =	sadd.s32 s9, s11  }
0x8c: {  	[hbm4b:s11+s3] =	stream.linear.scatter [tilespmem:s20], [sflag:$0x6], $0x1000, $0x38;
	[tilespmem:$0xE400] =	vst v63  }
0x8d: {  	_ =	swait.ge [sflag:s30], $0x1000  }
0x8e: {  	[sflag:s30] =	ssyncset.done $0x0  }
0x8f: {  	[sflag:s30] =	ssyncadd.s32 $0xFFFFF000  }
0x90: {  	_ =	swait.ge [sflag:s30], $0x1000  }
0x91: {  	s10 =	rddreg [dreg:$0x7];
	[sflag:s30] =	ssyncset.done $0x0  }
0x92: {  	s11 =	rddreg [dreg:$0x8];
	[sflag:s30] =	ssyncadd.s32 $0xFFFFF000;
	s10 =	sadd.s32 s9, s10  }
0x93: {  	[hbm4b:s10+s3] =	stream.linear.scatter [tilespmem:s22], [sflag:$0x7], $0x1000, $0x38;
	[tilespmem:$0xE400] =	vst v63  }
0x94: {  	s11 =	sadd.s32 s9, s11  }
0x95: {  	[hbm4b:s11+s3] =	stream.linear.scatter [tilespmem:s23], [sflag:$0x7], $0x1000, $0x38;
	[tilespmem:$0xE400] =	vst v63  }
0x96: {  	_ =	swait.ge [sflag:s31], $0x1000  }
0x97: {  	[sflag:s31] =	ssyncset.done $0x0  }
0x98: {  	[sflag:s31] =	ssyncadd.s32 $0xFFFFF000  }
0x99: {  	_ =	swait.ge [sflag:s31], $0x1000  }
0x9a: {  	s10 =	rddreg [dreg:$0x5];
	[sflag:s31] =	ssyncset.done $0x0  }
0x9b: {  	s11 =	rddreg [dreg:$0x6];
	[sflag:s31] =	ssyncadd.s32 $0xFFFFF000;
	s10 =	sadd.s32 s9, s10  }
0x9c: {  	[hbm4b:s10+s3] =	stream.linear.scatter [tilespmem:s25], [sflag:$0x8], $0x1000, $0x38;
	[tilespmem:$0xE400] =	vst v63  }
0x9d: {  	s11 =	sadd.s32 s9, s11  }
0x9e: {  	[hbm4b:s11+s3] =	stream.linear.scatter [tilespmem:s26], [sflag:$0x8], $0x1000, $0x38;
	[tilespmem:$0xE400] =	vst v63  }
0x9f: {  	_ =	swait.ge [sflag:s1], $0x1000  }
0xa0: {  	[sflag:s1] =	ssyncset.done $0x0  }
0xa1: {  	[sflag:s1] =	ssyncadd.s32 $0xFFFFF000  }
0xa2: {  	_ =	swait.ge [sflag:s1], $0x1000  }
0xa3: {  	s9 =	sshra.s32 s9, $0x2;
	[sflag:s1] =	ssyncset.done $0x0  }
0xa4: {  	s11 =	sadd.s32 $0x200, s9;
	[sflag:s1] =	ssyncadd.s32 $0xFFFFF000  }
0xa5: {  	[tilespmem:s17], [sflag:$0x1] =	stream.indirect.gather [hbm4b:s2+s16], $0x20, s11, s16, $0xb8;
	[tilespmem:$0xE400] =	vst v63  }
0xa6: {  	_ = 	snop  }
0xa7: {  	[tilespmem:s18], [sflag:$0x1] =	stream.indirect.gather [hbm4b:s4+s16], $0x20, s11, s16, $0xb8;
	[tilespmem:$0xE400] =	vst v63  }
0xa8: {  	_ =	swait.ge [sflag:s0], $0x1000  }
0xa9: {  	[sflag:s0] =	ssyncset.done $0x0  }
0xaa: {  	[sflag:s0] =	ssyncadd.s32 $0xFFFFF000  }
0xab: {  	_ =	swait.ge [sflag:s0], $0x1000  }
0xac: {  	[sflag:s0] =	ssyncset.done $0x0  }
0xad: {  	s11 =	sadd.s32 $0x280, s9;
	[sflag:s0] =	ssyncadd.s32 $0xFFFFF000  }
0xae: {  	[tilespmem:s19], [sflag:$0x2] =	stream.indirect.gather [hbm4b:s2+s16], $0x20, s11, s16, $0xb8;
	[tilespmem:$0xE400] =	vst v63  }
0xaf: {  	_ = 	snop  }
0xb0: {  	[tilespmem:s20], [sflag:$0x2] =	stream.indirect.gather [hbm4b:s4+s16], $0x20, s11, s16, $0xb8;
	[tilespmem:$0xE400] =	vst v63  }
0xb1: {  	_ =	swait.ge [sflag:s5], $0x1000  }
0xb2: {  	[sflag:s5] =	ssyncset.done $0x0  }
0xb3: {  	[sflag:s5] =	ssyncadd.s32 $0xFFFFF000  }
0xb4: {  	_ =	swait.ge [sflag:s5], $0x1000  }
0xb5: {  	[sflag:s5] =	ssyncset.done $0x0  }
0xb6: {  	s11 =	sadd.s32 $0x300, s9;
	[sflag:s5] =	ssyncadd.s32 $0xFFFFF000  }
0xb7: {  	[tilespmem:s22], [sflag:$0x3] =	stream.indirect.gather [hbm4b:s2+s16], $0x20, s11, s16, $0xb8;
	[tilespmem:$0xE400] =	vst v63  }
0xb8: {  	_ = 	snop  }
0xb9: {  	[tilespmem:s23], [sflag:$0x3] =	stream.indirect.gather [hbm4b:s4+s16], $0x20, s11, s16, $0xb8;
	[tilespmem:$0xE400] =	vst v63  }
0xba: {  	_ =	swait.ge [sflag:s6], $0x1000  }
0xbb: {  	p0 =	sne.s32 s8, $0x18000;
	[sflag:s6] =	ssyncset.done $0x0  }
.Ltmp0:
0xbc: {  	[sflag:s6] =	ssyncadd.s32 $0xFFFFF000;
	(pc) =	sbr.rel @p0 .LBB2_2-.Ltmp0, $4  }
0xbd: {  	_ =	swait.ge [sflag:s6], $0x1000  }
0xbe: {  	[sflag:s6] =	ssyncset.done $0x0  }
0xbf: {  	s8 =	sadd.s32 $0x800, s8;
	s9 =	sadd.s32 $0x380, s9;
	[sflag:s6] =	ssyncadd.s32 $0xFFFFF000  }
0xc0: {  	[tilespmem:s25], [sflag:$0x4] =	stream.indirect.gather [hbm4b:s2+s16], $0x20, s9, s16, $0xb8;
	[tilespmem:$0xE400] =	vst v63  }
0xc1: {  	[tilespmem:s26], [sflag:$0x4] =	stream.indirect.gather [hbm4b:s4+s16], $0x20, s9, s16, $0xb8;
	[tilespmem:$0xE400] =	vst v63  }
0xc2: {  	_ =	swait.ge [sflag:s28], $0x1000  }
0xc3: {  	[sflag:s28] =	ssyncset.done $0x0  }
0xc4: {  	[sflag:s28] =	ssyncadd.s32 $0xFFFFF000  }
0xc5: {  	_ =	swait.ge [sflag:s28], $0x1000  }
0xc6: {  	[sflag:s28] =	ssyncset.done $0x0  }
0xc7: {  	s8 =	rddreg [dreg:$0xc];
	[sflag:s28] =	ssyncadd.s32 $0xFFFFF000  }
0xc8: {  	[hbm4b:s8+s3] =	stream.linear.scatter [tilespmem:s17], [sflag:$0x5], $0x1000, $0x38;
	[tilespmem:$0xE400] =	vst v63  }
0xc9: {  	s10 =	rddreg [dreg:$0xd]  }
0xca: {  	[hbm4b:s10+s3] =	stream.linear.scatter [tilespmem:s18], [sflag:$0x5], $0x1000, $0x38;
	[tilespmem:$0xE400] =	vst v63  }
0xcb: {  	_ =	swait.ge [sflag:s29], $0x1000  }
0xcc: {  	[sflag:s29] =	ssyncset.done $0x0  }
0xcd: {  	[sflag:s29] =	ssyncadd.s32 $0xFFFFF000  }
0xce: {  	_ =	swait.ge [sflag:s29], $0x1000  }
0xcf: {  	[sflag:s29] =	ssyncset.done $0x0  }
0xd0: {  	s11 =	rddreg [dreg:$0xe];
	[sflag:s29] =	ssyncadd.s32 $0xFFFFF000  }
0xd1: {  	[hbm4b:s11+s3] =	stream.linear.scatter [tilespmem:s19], [sflag:$0x6], $0x1000, $0x38;
	[tilespmem:$0xE400] =	vst v63  }
0xd2: {  	s9 =	rddreg [dreg:$0xf]  }
0xd3: {  	[hbm4b:s9+s3] =	stream.linear.scatter [tilespmem:s20], [sflag:$0x6], $0x1000, $0x38;
	[tilespmem:$0xE400] =	vst v63  }
0xd4: {  	_ =	swait.ge [sflag:s30], $0x1000  }
0xd5: {  	[sflag:s30] =	ssyncset.done $0x0  }
0xd6: {  	[sflag:s30] =	ssyncadd.s32 $0xFFFFF000  }
0xd7: {  	_ =	swait.ge [sflag:s30], $0x1000  }
0xd8: {  	[sflag:s30] =	ssyncset.done $0x0  }
0xd9: {  	s10 =	rddreg [dreg:$0x10];
	[sflag:s30] =	ssyncadd.s32 $0xFFFFF000  }
0xda: {  	[hbm4b:s10+s3] =	stream.linear.scatter [tilespmem:s22], [sflag:$0x7], $0x1000, $0x38;
	[tilespmem:$0xE400] =	vst v63  }
0xdb: {  	s11 =	rddreg [dreg:$0x11]  }
0xdc: {  	[hbm4b:s11+s3] =	stream.linear.scatter [tilespmem:s23], [sflag:$0x7], $0x1000, $0x38;
	[tilespmem:$0xE400] =	vst v63  }
0xdd: {  	_ =	swait.ge [sflag:s31], $0x1000  }
0xde: {  	[sflag:s31] =	ssyncset.done $0x0  }
0xdf: {  	[sflag:s31] =	ssyncadd.s32 $0xFFFFF000  }
0xe0: {  	_ =	swait.ge [sflag:s31], $0x1000  }
0xe1: {  	[sflag:s31] =	ssyncset.done $0x0  }
0xe2: {  	[sflag:s31] =	ssyncadd.s32 $0xFFFFF000  }
0xe3: {  	[hbm4b:s12+s3] =	stream.linear.scatter [tilespmem:s25], [sflag:$0x8], $0x1000, $0x38;
	[tilespmem:$0xE400] =	vst v63  }
0xe4: {  	_ = 	snop  }
0xe5: {  	[hbm4b:s13+s3] =	stream.linear.scatter [tilespmem:s26], [sflag:$0x8], $0x1000, $0x38;
	[tilespmem:$0xE400] =	vst v63  }
0xe6: {  	_ =	swait.ge [sflag:s1], $0x1000  }
0xe7: {  	[sflag:s1] =	ssyncset.done $0x0  }
0xe8: {  	[sflag:s1] =	ssyncadd.s32 $0xFFFFF000  }
0xe9: {  	_ =	swait.ge [sflag:s1], $0x1000  }
0xea: {  	[sflag:s1] =	ssyncset.done $0x0  }
0xeb: {  	[sflag:s1] =	ssyncadd.s32 $0xFFFFF000  }
0xec: {  	_ =	swait.ge [sflag:s0], $0x1000  }
0xed: {  	[sflag:s0] =	ssyncset.done $0x0  }
0xee: {  	[sflag:s0] =	ssyncadd.s32 $0xFFFFF000  }
0xef: {  	_ =	swait.ge [sflag:s0], $0x1000  }
0xf0: {  	[sflag:s0] =	ssyncset.done $0x0  }
0xf1: {  	[sflag:s0] =	ssyncadd.s32 $0xFFFFF000  }
0xf2: {  	_ =	swait.ge [sflag:s5], $0x1000  }
0xf3: {  	[sflag:s5] =	ssyncset.done $0x0  }
0xf4: {  	[sflag:s5] =	ssyncadd.s32 $0xFFFFF000  }
0xf5: {  	_ =	swait.ge [sflag:s5], $0x1000  }
0xf6: {  	[sflag:s5] =	ssyncset.done $0x0  }
0xf7: {  	s7 =	sadd.s32 $0x1, s7;
	[sflag:s5] =	ssyncadd.s32 $0xFFFFF000  }
0xf8: {  	p0 =	sne.s32 s7, s14;
	_ =	swait.ge [sflag:s6], $0x1000  }
.Ltmp1:
0xf9: {  	[sflag:s6] =	ssyncset.done $0x0;
	(pc) =	sbr.rel @p0 .LBB2_1-.Ltmp1, $4  }
0xfa: {  	[sflag:s6] =	ssyncadd.s32 $0xFFFFF000  }
0xfb: {  	_ =	swait.ge [sflag:s6], $0x1000  }
0xfc: {  	[sflag:s6] =	ssyncset.done $0x0  }
0xfd: {  	[sflag:s6] =	ssyncadd.s32 $0xFFFFF000  }
0xfe: {  	_ =	sfence.sel $0x180000  }
0xff: {  	[bflag:$0x0] =	sbarrier.arrive $0xFFFF  }
0x100: {  	_ =	strace $0x90000047  }
0x101: {  	s0 =	stileid.u32;
	[bflag:$0x2] =	sbarrier.arrive $0xFFFF  }
0x102: {  	p0 =	sne.s32 s0, $0x0;
	s0 =	rddreg [dreg:$0x2]  }
0x103: {  	s0 =	sadd.s32 @!p0 $0x100000, s0  }
0x104: {  	[sflag:s0] =	ssyncadd.tile.s32 @!p0 $0x1;
	_ =	shalt  }
.Lfunc_end2:
_tile_overlayer_lowered:
.L_overlay_start_2:
0x105: {  	(tag) =	ssettag $0x2  }
0x106: {  	s0 =	rddreg [dreg:$0x0];
	s2 =	stileid.u32  }
0x107: {  	s1 =	rddreg [dreg:$0x1];
	p0 =	sne.s32 s2, $0x0  }
0x108: {  	s3 =	rddreg [dreg:$0x2];
	[bflag:$0x3] =	sbarrier.arrive $0xFFFF;
	s2 =	simm.s32 @!p0 $0x1C09  }
0x109: {  	[timem:s3], [sflag:s2] =	dma.local @!p0 [hbm:s0], s1  }
0x10a: {  	s0 =	simm.s32 @!p0 $0x9  }
0x10b: {  	_ =	swait.ge @!p0 [sflag:s0], s1  }
0x10c: {  	s1 =	ssub.s32 @!p0 $0x0, s1;
	[sflag:s0] =	ssyncset.done @!p0 $0x0  }
0x10d: {  	[sflag:s0] =	ssyncadd.s32 @!p0 s1  }
0x10e: {  	[bflag:$0x3] =	sbarrier.arrive $0xFFFF  }
0x10f: {  	_ =	shalt  }

</sc_bundles>
